<compile_context>
chip_gen: v7x
topology: tpu7x:2x2x1
jax: 0.10.2.dev20260603
libtpu: 0.0.44.dev20260713+nightly
codegen_flags: <defaults>
</compile_context>

<pallas_src>
import functools

import jax
import jax.numpy as jnp
from jax import lax
from jax.experimental import pallas as pl
from jax.experimental.pallas import tpu as pltpu
from jax.experimental.pallas import tpu_sc as plsc

RADIUS = 1.8320508075688772
INV_RADIUS = 1.0 / RADIUS
N = 10000
E = 320000
F = 128
NC = 2
NS = 16
NW = NC * NS
EW = E // NW
CH_A = 2000
CH_C = 40
NPAD = 10240
ROWS_S = NPAD // NS
CNT_S = NPAD // NS

def _mesh():
    return plsc.VectorSubcoreMesh(core_axis_name="c", subcore_axis_name="s",
                                  num_cores=NC, num_subcores=NS)




CSUB = 125
NSUB = CH_A // CSUB


def _rel_body(pix, piy, piz, pox, poy, poz, src, dst, dst2, zeros1d, ones1d,
              relx, rely, relz, cnt_out,
              bix, biy, biz, box, boy, boz, sbuf, dbuf, rbx, rby, rbz,
              dbuf2, obuf, semc, cnt_sp):
    c = lax.axis_index("c")
    s = lax.axis_index("s")
    w = c * NS + s
    e0 = w * EW
    r0 = s * CNT_S
    pltpu.sync_copy(pix, bix)
    pltpu.sync_copy(piy, biy)
    pltpu.sync_copy(piz, biz)
    pltpu.sync_copy(pox, box)
    pltpu.sync_copy(poy, boy)
    pltpu.sync_copy(poz, boz)
    pltpu.sync_copy(zeros1d, cnt_sp.at[pl.ds(r0, CNT_S)])
    pltpu.sync_copy(ones1d, obuf)
    plsc.subcore_barrier()

    def chunk(k, _):
        eo = e0 + k * CH_A
        pltpu.sync_copy(src.at[pl.ds(eo, CH_A)], sbuf)
        pltpu.sync_copy(dst.at[pl.ds(eo, CH_A)], dbuf)
        pltpu.sync_copy(dst2.at[pl.ds(pl.multiple_of(eo // CSUB, 8), NSUB), :], dbuf2)
        for j in range(NSUB):
            pltpu.async_copy(obuf, cnt_sp.at[dbuf2.at[j]], semc, add=True)

        def group(g, _):
            sl = pl.ds(g * 16, 16)
            sv = sbuf[sl]
            dv = dbuf[sl]
            rbx[sl] = (plsc.load_gather(bix, [sv]) - plsc.load_gather(box, [dv])) * INV_RADIUS
            rby[sl] = (plsc.load_gather(biy, [sv]) - plsc.load_gather(boy, [dv])) * INV_RADIUS
            rbz[sl] = (plsc.load_gather(biz, [sv]) - plsc.load_gather(boz, [dv])) * INV_RADIUS
            return 0

        lax.fori_loop(0, CH_A // 16, group, 0)
        pltpu.sync_copy(rbx, relx.at[pl.ds(eo, CH_A)])
        pltpu.sync_copy(rby, rely.at[pl.ds(eo, CH_A)])
        pltpu.sync_copy(rbz, relz.at[pl.ds(eo, CH_A)])
        for j in range(NSUB):
            pltpu.make_async_copy(obuf, cnt_sp.at[dbuf2.at[j]], semc).wait()
        return 0

    lax.fori_loop(0, EW // CH_A, chunk, 0)
    plsc.subcore_barrier()
    pltpu.sync_copy(cnt_sp.at[pl.ds(r0, CNT_S)], cnt_out.at[c, pl.ds(r0, CNT_S)])


def _rel_kernel(*args):
  return pl.kernel(
    _rel_body,
    out_type=(
        jax.ShapeDtypeStruct((E,), jnp.float32),
        jax.ShapeDtypeStruct((E,), jnp.float32),
        jax.ShapeDtypeStruct((E,), jnp.float32),
        jax.ShapeDtypeStruct((NC, NPAD), jnp.float32),
    ),
    mesh=_mesh(),
    compiler_params=pltpu.CompilerParams(needs_layout_passes=False),
    scratch_types=[
        pltpu.VMEM((N,), jnp.float32),
        pltpu.VMEM((N,), jnp.float32),
        pltpu.VMEM((N,), jnp.float32),
        pltpu.VMEM((N,), jnp.float32),
        pltpu.VMEM((N,), jnp.float32),
        pltpu.VMEM((N,), jnp.float32),
        pltpu.VMEM((CH_A,), jnp.int32),
        pltpu.VMEM((CH_A,), jnp.int32),
        pltpu.VMEM((CH_A,), jnp.float32),
        pltpu.VMEM((CH_A,), jnp.float32),
        pltpu.VMEM((CH_A,), jnp.float32),
        pltpu.VMEM((NSUB, CSUB), jnp.int32),
        pltpu.VMEM((CSUB,), jnp.float32),
        pltpu.SemaphoreType.DMA,
        pltpu.VMEM_SHARED((NPAD,), jnp.float32),
    ],
  )(*args)



B_MLP = 6400


def _mlp_body(rel3, w1, b1, w2d, b2, w3d, b3, out):
    h1 = jnp.maximum(
        lax.dot_general(rel3[...], w1[...], (((0,), (0,)), ((), ())),
                        preferred_element_type=jnp.float32) + b1[...], 0.0)
    h2 = jnp.maximum(
        jnp.dot(h1.astype(jnp.bfloat16), w2d[...],
                preferred_element_type=jnp.float32) + b2[...], 0.0)
    kern = jnp.dot(h2.astype(jnp.bfloat16), w3d[...],
                   preferred_element_type=jnp.float32) + b3[...]
    lo = lax.bitcast_convert_type(
        kern[:, :F // 2].astype(jnp.bfloat16), jnp.uint16).astype(jnp.uint32)
    hi = lax.bitcast_convert_type(
        kern[:, F // 2:].astype(jnp.bfloat16), jnp.uint16).astype(jnp.uint32)
    out[...] = lax.bitcast_convert_type(lo | (hi << 16), jnp.int32)


def _mlp(rel3, w1, b1, w2d, b2, w3d, b3):
    grid = (E // B_MLP,)
    row = pl.BlockSpec((1, F), lambda i: (0, 0))
    mat = pl.BlockSpec((F, F), lambda i: (0, 0))
    return pl.pallas_call(
        _mlp_body,
        grid=grid,
        in_specs=[pl.BlockSpec((3, B_MLP), lambda i: (0, i)),
                  pl.BlockSpec((3, F), lambda i: (0, 0)),
                  row, mat, row, mat, row],
        out_specs=pl.BlockSpec((B_MLP, F // 2), lambda i: (i, 0)),
        out_shape=jax.ShapeDtypeStruct((E, F // 2), jnp.int32),
    )(rel3, w1, b1.reshape(1, F), w2d, b2.reshape(1, F), w3d, b3.reshape(1, F))




NCH = EW // CH_C
NPAIR = NCH // 2


def _agg_body(kern, src, dst, feat, zeros2d,
              acc_out,
              kbufa, kbufb, fbufa, fbufb, sbufa, sbufb,
              dbufa, dbufb, xbufa, xbufb,
              semia, semib, semga, semgb, semsa, semsb, acc_sp):
    c = lax.axis_index("c")
    s = lax.axis_index("s")
    w = c * NS + s
    e0 = w * EW
    r0 = s * ROWS_S
    pltpu.sync_copy(zeros2d, acc_sp.at[pl.ds(r0, ROWS_S), :])
    plsc.subcore_barrier()

    def start_in(k, sbuf, dbuf, kbuf, sem):
        eo = e0 + k * CH_C
        pltpu.async_copy(src.at[pl.ds(eo, CH_C)], sbuf, sem)
        pltpu.async_copy(dst.at[pl.ds(eo, CH_C)], dbuf, sem)
        pltpu.async_copy(kern.at[pl.ds(eo, CH_C), :], kbuf, sem)

    def wait_in(k, sbuf, dbuf, kbuf, sem):
        eo = e0 + k * CH_C
        pltpu.make_async_copy(src.at[pl.ds(eo, CH_C)], sbuf, sem).wait()
        pltpu.make_async_copy(dst.at[pl.ds(eo, CH_C)], dbuf, sem).wait()
        pltpu.make_async_copy(kern.at[pl.ds(eo, CH_C), :], kbuf, sem).wait()

    def mul_scatter(kbuf, fbuf, dbuf, xbuf, sem):
        def mul(i, _):
            for q in range(F // 32):
                sl = pl.ds(q * 16, 16)
                kv = kbuf[i, sl]
                klo = plsc.bitcast(kv << 16, jnp.float32)
                khi = plsc.bitcast(kv & jnp.int32(-65536), jnp.float32)
                sl1 = pl.ds(F // 2 + q * 16, 16)
                fbuf[i, sl] = fbuf[i, sl] * klo
                fbuf[i, sl1] = fbuf[i, sl1] * khi
            return 0

        lax.fori_loop(0, CH_C, mul, 0)
        for off in (0, 16, CH_C - 16):
            xbuf[pl.ds(off, 16)] = dbuf[pl.ds(off, 16)]
        pltpu.async_copy(fbuf, acc_sp.at[xbuf], sem, add=True)

    start_in(0, sbufa, dbufa, kbufa, semia)
    start_in(1, sbufb, dbufb, kbufb, semib)

    def pair(p, _):
        ka = 2 * p
        kb = 2 * p + 1
        wait_in(ka, sbufa, dbufa, kbufa, semia)

        @pl.when(p > 0)
        def _():
            pltpu.make_async_copy(fbufa, acc_sp.at[xbufa], semsa).wait()

        pltpu.async_copy(feat.at[sbufa], fbufa, semga)
        wait_in(kb, sbufb, dbufb, kbufb, semib)

        @pl.when(p > 0)
        def _():
            pltpu.make_async_copy(fbufb, acc_sp.at[xbufb], semsb).wait()

        pltpu.async_copy(feat.at[sbufb], fbufb, semgb)
        pltpu.make_async_copy(feat.at[sbufa], fbufa, semga).wait()
        mul_scatter(kbufa, fbufa, dbufa, xbufa, semsa)

        @pl.when(p + 1 < NPAIR)
        def _():
            start_in(2 * p + 2, sbufa, dbufa, kbufa, semia)

        pltpu.make_async_copy(feat.at[sbufb], fbufb, semgb).wait()
        mul_scatter(kbufb, fbufb, dbufb, xbufb, semsb)

        @pl.when(p + 1 < NPAIR)
        def _():
            start_in(2 * p + 3, sbufb, dbufb, kbufb, semib)

        return 0

    lax.fori_loop(0, NPAIR, pair, 0)
    pltpu.make_async_copy(fbufa, acc_sp.at[xbufa], semsa).wait()
    pltpu.make_async_copy(fbufb, acc_sp.at[xbufb], semsb).wait()
    plsc.subcore_barrier()
    pltpu.sync_copy(acc_sp.at[pl.ds(r0, ROWS_S), :], acc_out.at[c, pl.ds(r0, ROWS_S), :])


def _agg_kernel(*args):
  return pl.kernel(
    _agg_body,
    out_type=jax.ShapeDtypeStruct((NC, NPAD, F), jnp.float32),
    mesh=_mesh(),
    compiler_params=pltpu.CompilerParams(needs_layout_passes=False),
    scratch_types=[
        pltpu.VMEM((CH_C, F // 2), jnp.int32),
        pltpu.VMEM((CH_C, F // 2), jnp.int32),
        pltpu.VMEM((CH_C, F), jnp.float32),
        pltpu.VMEM((CH_C, F), jnp.float32),
        pltpu.VMEM((CH_C,), jnp.int32),
        pltpu.VMEM((CH_C,), jnp.int32),
        pltpu.VMEM((CH_C,), jnp.int32),
        pltpu.VMEM((CH_C,), jnp.int32),
        pltpu.VMEM((CH_C,), jnp.int32),
        pltpu.VMEM((CH_C,), jnp.int32),
        pltpu.SemaphoreType.DMA,
        pltpu.SemaphoreType.DMA,
        pltpu.SemaphoreType.DMA,
        pltpu.SemaphoreType.DMA,
        pltpu.SemaphoreType.DMA,
        pltpu.SemaphoreType.DMA,
        pltpu.VMEM_SHARED((NPAD, F), jnp.float32),
    ],
  )(*args)



R_DIV = 2000


def _div_body(acc, cnt, out):
    inv = 1.0 / jnp.maximum(cnt[0] + cnt[1], 1.0)
    out[...] = (acc[0] + acc[1]) * inv


def _divide(acc, cnt):
    grid = (N // R_DIV,)
    return pl.pallas_call(
        _div_body,
        grid=grid,
        in_specs=[
            pl.BlockSpec((NC, R_DIV, F), lambda i: (0, i, 0)),
            pl.BlockSpec((NC, R_DIV, 1), lambda i: (0, i, 0)),
        ],
        out_specs=pl.BlockSpec((R_DIV, F), lambda i: (i, 0)),
        out_shape=jax.ShapeDtypeStruct((N, F), jnp.float32),
    )(acc, cnt)




def _block_diag(w):
    bs = w.shape[0]
    nb = w.shape[1] // bs
    blocks = w.reshape(bs, nb, bs).transpose(1, 0, 2)
    eye = jnp.eye(nb, dtype=w.dtype)
    d = jnp.einsum('nbc,nm->nbmc', blocks, eye)
    return d.reshape(nb * bs, nb * bs)


def kernel(inFeatures, inPositions, outPositions, edge_index,
           weights, biases, weights2, biases2, weights3, biases3):
    src = edge_index[0].astype(jnp.int32)
    dst = edge_index[1].astype(jnp.int32)
    pix, piy, piz = (inPositions[:, 0], inPositions[:, 1], inPositions[:, 2])
    pox, poy, poz = (outPositions[:, 0], outPositions[:, 1], outPositions[:, 2])

    dst2 = dst.reshape(E // CSUB, CSUB)
    zeros1d = jnp.zeros((CNT_S,), jnp.float32)
    ones1d = jnp.ones((CSUB,), jnp.float32)
    relx, rely, relz, cnt = _rel_kernel(pix, piy, piz, pox, poy, poz, src, dst,
                                        dst2, zeros1d, ones1d)

    w2d = _block_diag(weights2).astype(jnp.bfloat16)
    w3d = _block_diag(weights3).astype(jnp.bfloat16)
    rel3 = jnp.stack([relx, rely, relz])
    kern = _mlp(rel3, weights, biases, w2d, biases2, w3d, biases3)

    zeros2d = jnp.zeros((ROWS_S, F), jnp.float32)
    acc = _agg_kernel(kern, src, dst, inFeatures, zeros2d)

    cnt = cnt[:, :N].reshape(NC, N, 1)
    return _divide(acc[:, :N, :], cnt)

# --- scband reference (transcript-rebuilt; emitter-appended) ---
"""Pipeline reference for scband-convolution-builder-22978075033941 (READ-ONLY COPY).

The authoritative reference and input builder live on the scoring server;
editing this copy changes nothing except your own understanding.
"""

import jax, jax.numpy as jnp
import numpy as np

BLOCK_SIZE = 8          # get_block_size() in MCCNN-style code
IN_FEATURES = 128       # inNumFeatures (single-feature conv: numOutNeurons = inNumFeatures)
NUM_BLOCKS = IN_FEATURES // BLOCK_SIZE
RADIUS = 1.8320508075688772  # convRadius = sqrt(3)+0.1
N_NODES = 10000
N_EDGES = 320000


def _xavier(key, shape):
    fan_in, fan_out = shape[0], shape[1]
    std = np.sqrt(2.0 / (fan_in + fan_out))
    return jax.random.normal(key, shape, dtype=jnp.float32) * std


def setup_inputs(seed: int = 0) -> dict:
    key = jax.random.key(seed)
    ks = jax.random.split(key, 8)
    inFeatures = jax.random.normal(ks[0], (N_NODES, IN_FEATURES), dtype=jnp.float32)
    inPositions = jax.random.uniform(ks[1], (N_NODES, 3), dtype=jnp.float32)
    outPositions = jax.random.uniform(ks[2], (N_NODES, 3), dtype=jnp.float32)
    edge_index = jax.random.randint(ks[3], (2, N_EDGES), 0, N_NODES)
    weights = _xavier(ks[4], (3, NUM_BLOCKS * BLOCK_SIZE))
    biases = jnp.zeros((NUM_BLOCKS * BLOCK_SIZE,), dtype=jnp.float32)
    weights2 = _xavier(ks[5], (BLOCK_SIZE, NUM_BLOCKS * BLOCK_SIZE))
    biases2 = jnp.zeros((NUM_BLOCKS * BLOCK_SIZE,), dtype=jnp.float32)
    weights3 = _xavier(ks[6], (BLOCK_SIZE, NUM_BLOCKS * BLOCK_SIZE))
    biases3 = jnp.zeros((NUM_BLOCKS * BLOCK_SIZE,), dtype=jnp.float32)
    return {
        'inFeatures': inFeatures,
        'inPositions': inPositions,
        'outPositions': outPositions,
        'edge_index': edge_index,
        'weights': weights,
        'biases': biases,
        'weights2': weights2,
        'biases2': biases2,
        'weights3': weights3,
        'biases3': biases3,
    }


def reference(inFeatures, inPositions, outPositions, edge_index, weights, biases,
              weights2, biases2, weights3, biases3):
    src = edge_index[0]
    dst = edge_index[1]
    # relative neighbor position, normalized by conv radius (relativeRadius handling folded in)
    rel = (jnp.take(inPositions, src, axis=0) - jnp.take(outPositions, dst, axis=0)) / RADIUS  # [E,3]
    # block-structured kernel MLP: 3 -> (numBlocks*blockSize), then two per-block layers
    h1 = jax.nn.relu(rel @ weights + biases)                 # [E, NB*BS]
    h1b = h1.reshape(-1, NUM_BLOCKS, BLOCK_SIZE)             # [E, NB, BS]
    W2 = weights2.reshape(BLOCK_SIZE, NUM_BLOCKS, BLOCK_SIZE).transpose(1, 0, 2)  # [NB, BS, BS]
    b2 = biases2.reshape(NUM_BLOCKS, BLOCK_SIZE)
    h2 = jax.nn.relu(jnp.einsum('enb,nbc->enc', h1b, W2) + b2)                   # [E, NB, BS]
    W3 = weights3.reshape(BLOCK_SIZE, NUM_BLOCKS, BLOCK_SIZE).transpose(1, 0, 2)
    b3 = biases3.reshape(NUM_BLOCKS, BLOCK_SIZE)
    kern = (jnp.einsum('enb,nbc->enc', h2, W3) + b3).reshape(-1, IN_FEATURES)    # [E, F]
    # single-feature Monte-Carlo convolution: per-feature kernel weight * gathered feature
    msg = kern * jnp.take(inFeatures, src, axis=0)           # [E, F]
    out = jnp.zeros((outPositions.shape[0], IN_FEATURES), dtype=jnp.float32).at[dst].add(msg)
    # useAVG=True: divide by neighbor count
    counts = jnp.zeros((outPositions.shape[0],), dtype=jnp.float32).at[dst].add(1.0)
    out = out / jnp.maximum(counts, 1.0)[:, None]
    return out

if __name__ == "__main__":
    import jax
    _d = setup_inputs()
    print(jax.jit(kernel)(*tuple(_d.values())))

</pallas_src>

<mosaic_0001>
#map = affine_map<(d0, d1) -> (0, 0)>
#map1 = affine_map<(d0, d1) -> (0)>
#map2 = affine_map<(d0, d1) -> (0, 0, 0)>
module attributes {stable_mosaic.version = 14 : i64} {
  func.func @_agg_body(%arg0: i32, %arg1: i32, %arg2: memref<320000x64xi32, #tpu.memory_space<hbm>>, %arg3: memref<320000xi32, #tpu.memory_space<hbm>>, %arg4: memref<320000xi32, #tpu.memory_space<hbm>>, %arg5: memref<10000x128xf32, #tpu.memory_space<hbm>>, %arg6: memref<640x128xf32, #tpu.memory_space<hbm>>, %arg7: memref<2x10240x128xf32, #tpu.memory_space<hbm>>, %arg8: memref<40x64xi32, #tpu.memory_space<vmem>>, %arg9: memref<40x64xi32, #tpu.memory_space<vmem>>, %arg10: memref<40x128xf32, #tpu.memory_space<vmem>>, %arg11: memref<40x128xf32, #tpu.memory_space<vmem>>, %arg12: memref<40xi32, #tpu.memory_space<vmem>>, %arg13: memref<40xi32, #tpu.memory_space<vmem>>, %arg14: memref<40xi32, #tpu.memory_space<vmem>>, %arg15: memref<40xi32, #tpu.memory_space<vmem>>, %arg16: memref<40xi32, #tpu.memory_space<vmem>>, %arg17: memref<40xi32, #tpu.memory_space<vmem>>, %arg18: memref<!tpu.dma_semaphore, #tpu.memory_space<semaphore_mem>>, %arg19: memref<!tpu.dma_semaphore, #tpu.memory_space<semaphore_mem>>, %arg20: memref<!tpu.dma_semaphore, #tpu.memory_space<semaphore_mem>>, %arg21: memref<!tpu.dma_semaphore, #tpu.memory_space<semaphore_mem>>, %arg22: memref<!tpu.dma_semaphore, #tpu.memory_space<semaphore_mem>>, %arg23: memref<!tpu.dma_semaphore, #tpu.memory_space<semaphore_mem>>, %arg24: memref<10240x128xf32, #tpu.memory_space<vmem_shared>>) attributes {dimension_semantics = [#tpu.dimension_semantics<core_parallel>, #tpu.dimension_semantics<subcore_parallel>], iteration_bounds = array<i64: 2, 16>, scalar_prefetch = 0 : i64, scratch_operands = 17 : i64, tpu.core_type = #tpu.core_type<sc_vector_subcore>, window_params = [{transform_indices = #map}, {transform_indices = #map1}, {transform_indices = #map1}, {transform_indices = #map}, {transform_indices = #map}, {transform_indices = #map2}]} {
    %mul3A = arith.constant 16 : i32
    %mul3A_0 = arith.muli %arg0, %mul3A : i32
    %add3A = arith.addi %mul3A_0, %arg1 : i32
    %mul3A_1 = arith.constant 10000 : i32
    %mul3A_2 = arith.muli %add3A, %mul3A_1 : i32
    %mul3A_3 = arith.constant 640 : i32
    %mul3A_4 = arith.muli %arg1, %mul3A_3 : i32
    "tpu.region"() ({
      %run_scoped3A = tpu.sem_alloc : memref<!tpu.dma_semaphore, #tpu.memory_space<semaphore_mem>>
      %dma_start3A_36 = arith.constant 0 : i32
      %dma_start3A_37 = tpu.memref_slice %arg24[%mul3A_4, %dma_start3A_36] : memref<10240x128xf32, #tpu.memory_space<vmem_shared>> -> memref<640x128xf32, #tpu.memory_space<vmem_shared>>
      tpu.enqueue_dma source(%arg6 : memref<640x128xf32, #tpu.memory_space<hbm>>) target(%dma_start3A_37 : memref<640x128xf32, #tpu.memory_space<vmem_shared>>) target_semaphore(%run_scoped3A : memref<!tpu.dma_semaphore, #tpu.memory_space<semaphore_mem>>)
      %dma_wait3A_38 = arith.constant 0 : i32
      %dma_wait3A_39 = tpu.memref_slice %arg24[%mul3A_4, %dma_wait3A_38] : memref<10240x128xf32, #tpu.memory_space<vmem_shared>> -> memref<640x128xf32, #tpu.memory_space<vmem_shared>>
      tpu.wait_dma2 semaphore(%run_scoped3A : memref<!tpu.dma_semaphore, #tpu.memory_space<semaphore_mem>>) src(%arg6 : memref<640x128xf32, #tpu.memory_space<hbm>>) dst(%dma_wait3A_39 : memref<640x128xf32, #tpu.memory_space<vmem_shared>>)
      tpu.yield
    }) : () -> ()
    %barrier3A = arith.constant 0 : index
    tpu.barrier barrier_id(%barrier3A)
    %add3A_5 = arith.constant 0 : i32
    %add3A_6 = arith.addi %mul3A_2, %add3A_5 : i32
    %dma_start3A = tpu.memref_slice %arg3[%add3A_6] : memref<320000xi32, #tpu.memory_space<hbm>> -> memref<40xi32, #tpu.memory_space<hbm>>
    %dma_start3A_7 = tpu.memref_slice %arg3[%add3A_6] : memref<320000xi32, #tpu.memory_space<hbm>> -> memref<40xi32, #tpu.memory_space<hbm>>
    tpu.enqueue_dma source(%dma_start3A_7 : memref<40xi32, #tpu.memory_space<hbm>>) target(%arg12 : memref<40xi32, #tpu.memory_space<vmem>>) target_semaphore(%arg18 : memref<!tpu.dma_semaphore, #tpu.memory_space<semaphore_mem>>)
    %dma_start3A_8 = tpu.memref_slice %arg4[%add3A_6] : memref<320000xi32, #tpu.memory_space<hbm>> -> memref<40xi32, #tpu.memory_space<hbm>>
    %dma_start3A_9 = tpu.memref_slice %arg4[%add3A_6] : memref<320000xi32, #tpu.memory_space<hbm>> -> memref<40xi32, #tpu.memory_space<hbm>>
    tpu.enqueue_dma source(%dma_start3A_9 : memref<40xi32, #tpu.memory_space<hbm>>) target(%arg14 : memref<40xi32, #tpu.memory_space<vmem>>) target_semaphore(%arg18 : memref<!tpu.dma_semaphore, #tpu.memory_space<semaphore_mem>>)
    %dma_start3A_10 = arith.constant 0 : i32
    %dma_start3A_11 = tpu.memref_slice %arg2[%add3A_6, %dma_start3A_10] : memref<320000x64xi32, #tpu.memory_space<hbm>> -> memref<40x64xi32, #tpu.memory_space<hbm>>
    %dma_start3A_12 = arith.constant 0 : i32
    %dma_start3A_13 = tpu.memref_slice %arg2[%add3A_6, %dma_start3A_12] : memref<320000x64xi32, #tpu.memory_space<hbm>> -> memref<40x64xi32, #tpu.memory_space<hbm>>
    tpu.enqueue_dma source(%dma_start3A_13 : memref<40x64xi32, #tpu.memory_space<hbm>>) target(%arg8 : memref<40x64xi32, #tpu.memory_space<vmem>>) target_semaphore(%arg18 : memref<!tpu.dma_semaphore, #tpu.memory_space<semaphore_mem>>)
    %add3A_14 = arith.constant 40 : i32
    %add3A_15 = arith.addi %mul3A_2, %add3A_14 : i32
    %dma_start3A_16 = tpu.memref_slice %arg3[%add3A_15] : memref<320000xi32, #tpu.memory_space<hbm>> -> memref<40xi32, #tpu.memory_space<hbm>>
    %dma_start3A_17 = tpu.memref_slice %arg3[%add3A_15] : memref<320000xi32, #tpu.memory_space<hbm>> -> memref<40xi32, #tpu.memory_space<hbm>>
    tpu.enqueue_dma source(%dma_start3A_17 : memref<40xi32, #tpu.memory_space<hbm>>) target(%arg13 : memref<40xi32, #tpu.memory_space<vmem>>) target_semaphore(%arg19 : memref<!tpu.dma_semaphore, #tpu.memory_space<semaphore_mem>>)
    %dma_start3A_18 = tpu.memref_slice %arg4[%add3A_15] : memref<320000xi32, #tpu.memory_space<hbm>> -> memref<40xi32, #tpu.memory_space<hbm>>
    %dma_start3A_19 = tpu.memref_slice %arg4[%add3A_15] : memref<320000xi32, #tpu.memory_space<hbm>> -> memref<40xi32, #tpu.memory_space<hbm>>
    tpu.enqueue_dma source(%dma_start3A_19 : memref<40xi32, #tpu.memory_space<hbm>>) target(%arg15 : memref<40xi32, #tpu.memory_space<vmem>>) target_semaphore(%arg19 : memref<!tpu.dma_semaphore, #tpu.memory_space<semaphore_mem>>)
    %dma_start3A_20 = arith.constant 0 : i32
    %dma_start3A_21 = tpu.memref_slice %arg2[%add3A_15, %dma_start3A_20] : memref<320000x64xi32, #tpu.memory_space<hbm>> -> memref<40x64xi32, #tpu.memory_space<hbm>>
    %dma_start3A_22 = arith.constant 0 : i32
    %dma_start3A_23 = tpu.memref_slice %arg2[%add3A_15, %dma_start3A_22] : memref<320000x64xi32, #tpu.memory_space<hbm>> -> memref<40x64xi32, #tpu.memory_space<hbm>>
    tpu.enqueue_dma source(%dma_start3A_23 : memref<40x64xi32, #tpu.memory_space<hbm>>) target(%arg9 : memref<40x64xi32, #tpu.memory_space<vmem>>) target_semaphore(%arg19 : memref<!tpu.dma_semaphore, #tpu.memory_space<semaphore_mem>>)
    %scan3A = arith.constant 0 : i32
    %scan3A_24 = arith.constant 0 : i32
    %scan3A_25 = arith.constant 125 : i32
    %scan3A_26 = arith.addi %scan3A_24, %scan3A_25 : i32
    %scan3A_27 = arith.constant 1 : i32
    %scan3A_28 = scf.for %scan3A_36 = %scan3A_24 to %scan3A_26 step %scan3A_27 iter_args(%scan3A_37 = %scan3A) -> (i32)  : i32 {
      %mul3A_38 = arith.constant 2 : i32
      %mul3A_39 = arith.muli %mul3A_38, %scan3A_36 : i32
      %mul3A_40 = arith.constant 2 : i32
      %mul3A_41 = arith.muli %mul3A_40, %scan3A_36 : i32
      %add3A_42 = arith.constant 1 : i32
      %add3A_43 = arith.addi %mul3A_41, %add3A_42 : i32
      %mul3A_44 = arith.constant 40 : i32
      %mul3A_45 = arith.muli %mul3A_39, %mul3A_44 : i32
      %add3A_46 = arith.addi %mul3A_2, %mul3A_45 : i32
      %dma_wait3A_47 = tpu.memref_slice %arg3[%add3A_46] : memref<320000xi32, #tpu.memory_space<hbm>> -> memref<40xi32, #tpu.memory_space<hbm>>
      %dma_wait3A_48 = tpu.memref_slice %arg3[%add3A_46] : memref<320000xi32, #tpu.memory_space<hbm>> -> memref<40xi32, #tpu.memory_space<hbm>>
      tpu.wait_dma2 semaphore(%arg18 : memref<!tpu.dma_semaphore, #tpu.memory_space<semaphore_mem>>) src(%dma_wait3A_48 : memref<40xi32, #tpu.memory_space<hbm>>) dst(%arg12 : memref<40xi32, #tpu.memory_space<vmem>>)
      %dma_wait3A_49 = tpu.memref_slice %arg4[%add3A_46] : memref<320000xi32, #tpu.memory_space<hbm>> -> memref<40xi32, #tpu.memory_space<hbm>>
      %dma_wait3A_50 = tpu.memref_slice %arg4[%add3A_46] : memref<320000xi32, #tpu.memory_space<hbm>> -> memref<40xi32, #tpu.memory_space<hbm>>
      tpu.wait_dma2 semaphore(%arg18 : memref<!tpu.dma_semaphore, #tpu.memory_space<semaphore_mem>>) src(%dma_wait3A_50 : memref<40xi32, #tpu.memory_space<hbm>>) dst(%arg14 : memref<40xi32, #tpu.memory_space<vmem>>)
      %dma_wait3A_51 = arith.constant 0 : i32
      %dma_wait3A_52 = tpu.memref_slice %arg2[%add3A_46, %dma_wait3A_51] : memref<320000x64xi32, #tpu.memory_space<hbm>> -> memref<40x64xi32, #tpu.memory_space<hbm>>
      %dma_wait3A_53 = arith.constant 0 : i32
      %dma_wait3A_54 = tpu.memref_slice %arg2[%add3A_46, %dma_wait3A_53] : memref<320000x64xi32, #tpu.memory_space<hbm>> -> memref<40x64xi32, #tpu.memory_space<hbm>>
      tpu.wait_dma2 semaphore(%arg18 : memref<!tpu.dma_semaphore, #tpu.memory_space<semaphore_mem>>) src(%dma_wait3A_54 : memref<40x64xi32, #tpu.memory_space<hbm>>) dst(%arg8 : memref<40x64xi32, #tpu.memory_space<vmem>>)
      %gt3A = arith.constant 0 : i32
      %gt3A_55 = arith.cmpi sgt, %scan3A_36, %gt3A : i32
      %convert_element_type3A = arith.extui %gt3A_55 : i1 to i32
      %cond3A = arith.constant 0 : i32
      %cond3A_56 = arith.cmpi ne, %convert_element_type3A, %cond3A : i32
      scf.if %cond3A_56 {
        %dma_wait3A_141 = arith.constant 0 : i32
        %dma_wait3A_142 = arith.constant 0 : i32
        %dma_wait3A_143 = tpu.memref_slice %arg24[%dma_wait3A_141, %dma_wait3A_142] : memref<10240x128xf32, #tpu.memory_space<vmem_shared>> -> memref<10240x128xf32, #tpu.memory_space<vmem_shared>>
        tpu.wait_indirect_dma semaphore(%arg22 : memref<!tpu.dma_semaphore, #tpu.memory_space<semaphore_mem>>) src(%arg10 : memref<40x128xf32, #tpu.memory_space<vmem>>) dst(%dma_wait3A_143 : memref<10240x128xf32, #tpu.memory_space<vmem_shared>>)
      } else {
      }
      %dma_start3A_57 = arith.constant 0 : i32
      %dma_start3A_58 = arith.constant 0 : i32
      %dma_start3A_59 = tpu.memref_slice %arg5[%dma_start3A_57, %dma_start3A_58] : memref<10000x128xf32, #tpu.memory_space<hbm>> -> memref<10000x128xf32, #tpu.memory_space<hbm>>
      tpu.enqueue_indirect_dma source(%dma_start3A_59 : memref<10000x128xf32, #tpu.memory_space<hbm>>) target(%arg10 : memref<40x128xf32, #tpu.memory_space<vmem>>) offsets(%arg12 : memref<40xi32, #tpu.memory_space<vmem>>) semaphore(%arg20 : memref<!tpu.dma_semaphore, #tpu.memory_space<semaphore_mem>>)
      %mul3A_60 = arith.constant 40 : i32
      %mul3A_61 = arith.muli %add3A_43, %mul3A_60 : i32
      %add3A_62 = arith.addi %mul3A_2, %mul3A_61 : i32
      %dma_wait3A_63 = tpu.memref_slice %arg3[%add3A_62] : memref<320000xi32, #tpu.memory_space<hbm>> -> memref<40xi32, #tpu.memory_space<hbm>>
      %dma_wait3A_64 = tpu.memref_slice %arg3[%add3A_62] : memref<320000xi32, #tpu.memory_space<hbm>> -> memref<40xi32, #tpu.memory_space<hbm>>
      tpu.wait_dma2 semaphore(%arg19 : memref<!tpu.dma_semaphore, #tpu.memory_space<semaphore_mem>>) src(%dma_wait3A_64 : memref<40xi32, #tpu.memory_space<hbm>>) dst(%arg13 : memref<40xi32, #tpu.memory_space<vmem>>)
      %dma_wait3A_65 = tpu.memref_slice %arg4[%add3A_62] : memref<320000xi32, #tpu.memory_space<hbm>> -> memref<40xi32, #tpu.memory_space<hbm>>
      %dma_wait3A_66 = tpu.memref_slice %arg4[%add3A_62] : memref<320000xi32, #tpu.memory_space<hbm>> -> memref<40xi32, #tpu.memory_space<hbm>>
      tpu.wait_dma2 semaphore(%arg19 : memref<!tpu.dma_semaphore, #tpu.memory_space<semaphore_mem>>) src(%dma_wait3A_66 : memref<40xi32, #tpu.memory_space<hbm>>) dst(%arg15 : memref<40xi32, #tpu.memory_space<vmem>>)
      %dma_wait3A_67 = arith.constant 0 : i32
      %dma_wait3A_68 = tpu.memref_slice %arg2[%add3A_62, %dma_wait3A_67] : memref<320000x64xi32, #tpu.memory_space<hbm>> -> memref<40x64xi32, #tpu.memory_space<hbm>>
      %dma_wait3A_69 = arith.constant 0 : i32
      %dma_wait3A_70 = tpu.memref_slice %arg2[%add3A_62, %dma_wait3A_69] : memref<320000x64xi32, #tpu.memory_space<hbm>> -> memref<40x64xi32, #tpu.memory_space<hbm>>
      tpu.wait_dma2 semaphore(%arg19 : memref<!tpu.dma_semaphore, #tpu.memory_space<semaphore_mem>>) src(%dma_wait3A_70 : memref<40x64xi32, #tpu.memory_space<hbm>>) dst(%arg9 : memref<40x64xi32, #tpu.memory_space<vmem>>)
      %gt3A_71 = arith.constant 0 : i32
      %gt3A_72 = arith.cmpi sgt, %scan3A_36, %gt3A_71 : i32
      %convert_element_type3A_73 = arith.extui %gt3A_72 : i1 to i32
      %cond3A_74 = arith.constant 0 : i32
      %cond3A_75 = arith.cmpi ne, %convert_element_type3A_73, %cond3A_74 : i32
      scf.if %cond3A_75 {
        %dma_wait3A_141 = arith.constant 0 : i32
        %dma_wait3A_142 = arith.constant 0 : i32
        %dma_wait3A_143 = tpu.memref_slice %arg24[%dma_wait3A_141, %dma_wait3A_142] : memref<10240x128xf32, #tpu.memory_space<vmem_shared>> -> memref<10240x128xf32, #tpu.memory_space<vmem_shared>>
        tpu.wait_indirect_dma semaphore(%arg23 : memref<!tpu.dma_semaphore, #tpu.memory_space<semaphore_mem>>) src(%arg11 : memref<40x128xf32, #tpu.memory_space<vmem>>) dst(%dma_wait3A_143 : memref<10240x128xf32, #tpu.memory_space<vmem_shared>>)
      } else {
      }
      %dma_start3A_76 = arith.constant 0 : i32
      %dma_start3A_77 = arith.constant 0 : i32
      %dma_start3A_78 = tpu.memref_slice %arg5[%dma_start3A_76, %dma_start3A_77] : memref<10000x128xf32, #tpu.memory_space<hbm>> -> memref<10000x128xf32, #tpu.memory_space<hbm>>
      tpu.enqueue_indirect_dma source(%dma_start3A_78 : memref<10000x128xf32, #tpu.memory_space<hbm>>) target(%arg11 : memref<40x128xf32, #tpu.memory_space<vmem>>) offsets(%arg13 : memref<40xi32, #tpu.memory_space<vmem>>) semaphore(%arg21 : memref<!tpu.dma_semaphore, #tpu.memory_space<semaphore_mem>>)
      %dma_wait3A_79 = arith.constant 0 : i32
      %dma_wait3A_80 = arith.constant 0 : i32
      %dma_wait3A_81 = tpu.memref_slice %arg5[%dma_wait3A_79, %dma_wait3A_80] : memref<10000x128xf32, #tpu.memory_space<hbm>> -> memref<10000x128xf32, #tpu.memory_space<hbm>>
      tpu.wait_indirect_dma semaphore(%arg20 : memref<!tpu.dma_semaphore, #tpu.memory_space<semaphore_mem>>) src(%dma_wait3A_81 : memref<10000x128xf32, #tpu.memory_space<hbm>>) dst(%arg10 : memref<40x128xf32, #tpu.memory_space<vmem>>)
      %scan3A_82 = arith.constant 0 : i32
      %scan3A_83 = arith.constant 0 : i32
      %scan3A_84 = arith.constant 40 : i32
      %scan3A_85 = arith.addi %scan3A_83, %scan3A_84 : i32
      %scan3A_86 = arith.constant 1 : i32
      %scan3A_87 = scf.for %scan3A_141 = %scan3A_83 to %scan3A_85 step %scan3A_86 iter_args(%scan3A_142 = %scan3A_82) -> (i32)  : i32 {
        %get3A_143 = arith.index_cast %scan3A_141 : i32 to index
        %get3A_144 = arith.constant 0 : index
        %get3A_145 = tpu.vector_load %arg8[%get3A_143, %get3A_144] {strides = array<i32>} : memref<40x64xi32, #tpu.memory_space<vmem>>, vector<16xi32>,
        %shift_left3A = arith.constant 16 : i32
        %shift_left3A_146 = vector.broadcast %shift_left3A : i32 to vector<16xi32>
        %shift_left3A_147 = arith.shli %get3A_145, %shift_left3A_146 : vector<16xi32>
        %bitcast3A = vector.bitcast %shift_left3A_147 : vector<16xi32> to vector<16xf32>
        %and3A = arith.constant -65536 : i32
        %and3A_148 = vector.broadcast %and3A : i32 to vector<16xi32>
        %and3A_149 = arith.andi %get3A_145, %and3A_148 : vector<16xi32>
        %bitcast3A_150 = vector.bitcast %and3A_149 : vector<16xi32> to vector<16xf32>
        %get3A_151 = arith.index_cast %scan3A_141 : i32 to index
        %get3A_152 = arith.constant 0 : index
        %get3A_153 = tpu.vector_load %arg10[%get3A_151, %get3A_152] {strides = array<i32>} : memref<40x128xf32, #tpu.memory_space<vmem>>, vector<16xf32>,
        %mul3A_154 = arith.mulf %get3A_153, %bitcast3A : vector<16xf32>
        %swap3A_155 = arith.index_cast %scan3A_141 : i32 to index
        %swap3A_156 = arith.constant 0 : index
        %swap3A_157 = tpu.vector_load %arg10[%swap3A_155, %swap3A_156] {strides = array<i32>} : memref<40x128xf32, #tpu.memory_space<vmem>>, vector<16xf32>,
        tpu.vector_store %arg10[%swap3A_155, %swap3A_156], %mul3A_154 {strides = array<i32>} : memref<40x128xf32, #tpu.memory_space<vmem>>, vector<16xf32>,
        %get3A_158 = arith.index_cast %scan3A_141 : i32 to index
        %get3A_159 = arith.constant 64 : index
        %get3A_160 = tpu.vector_load %arg10[%get3A_158, %get3A_159] {strides = array<i32>} : memref<40x128xf32, #tpu.memory_space<vmem>>, vector<16xf32>,
        %mul3A_161 = arith.mulf %get3A_160, %bitcast3A_150 : vector<16xf32>
        %swap3A_162 = arith.index_cast %scan3A_141 : i32 to index
        %swap3A_163 = arith.constant 64 : index
        %swap3A_164 = tpu.vector_load %arg10[%swap3A_162, %swap3A_163] {strides = array<i32>} : memref<40x128xf32, #tpu.memory_space<vmem>>, vector<16xf32>,
        tpu.vector_store %arg10[%swap3A_162, %swap3A_163], %mul3A_161 {strides = array<i32>} : memref<40x128xf32, #tpu.memory_space<vmem>>, vector<16xf32>,
        %get3A_165 = arith.index_cast %scan3A_141 : i32 to index
        %get3A_166 = arith.constant 16 : index
        %get3A_167 = tpu.vector_load %arg8[%get3A_165, %get3A_166] {strides = array<i32>} : memref<40x64xi32, #tpu.memory_space<vmem>>, vector<16xi32>,
        %shift_left3A_168 = arith.constant 16 : i32
        %shift_left3A_169 = vector.broadcast %shift_left3A_168 : i32 to vector<16xi32>
        %shift_left3A_170 = arith.shli %get3A_167, %shift_left3A_169 : vector<16xi32>
        %bitcast3A_171 = vector.bitcast %shift_left3A_170 : vector<16xi32> to vector<16xf32>
        %and3A_172 = arith.constant -65536 : i32
        %and3A_173 = vector.broadcast %and3A_172 : i32 to vector<16xi32>
        %and3A_174 = arith.andi %get3A_167, %and3A_173 : vector<16xi32>
        %bitcast3A_175 = vector.bitcast %and3A_174 : vector<16xi32> to vector<16xf32>
        %get3A_176 = arith.index_cast %scan3A_141 : i32 to index
        %get3A_177 = arith.constant 16 : index
        %get3A_178 = tpu.vector_load %arg10[%get3A_176, %get3A_177] {strides = array<i32>} : memref<40x128xf32, #tpu.memory_space<vmem>>, vector<16xf32>,
        %mul3A_179 = arith.mulf %get3A_178, %bitcast3A_171 : vector<16xf32>
        %swap3A_180 = arith.index_cast %scan3A_141 : i32 to index
        %swap3A_181 = arith.constant 16 : index
        %swap3A_182 = tpu.vector_load %arg10[%swap3A_180, %swap3A_181] {strides = array<i32>} : memref<40x128xf32, #tpu.memory_space<vmem>>, vector<16xf32>,
        tpu.vector_store %arg10[%swap3A_180, %swap3A_181], %mul3A_179 {strides = array<i32>} : memref<40x128xf32, #tpu.memory_space<vmem>>, vector<16xf32>,
        %get3A_183 = arith.index_cast %scan3A_141 : i32 to index
        %get3A_184 = arith.constant 80 : index
        %get3A_185 = tpu.vector_load %arg10[%get3A_183, %get3A_184] {strides = array<i32>} : memref<40x128xf32, #tpu.memory_space<vmem>>, vector<16xf32>,
        %mul3A_186 = arith.mulf %get3A_185, %bitcast3A_175 : vector<16xf32>
        %swap3A_187 = arith.index_cast %scan3A_141 : i32 to index
        %swap3A_188 = arith.constant 80 : index
        %swap3A_189 = tpu.vector_load %arg10[%swap3A_187, %swap3A_188] {strides = array<i32>} : memref<40x128xf32, #tpu.memory_space<vmem>>, vector<16xf32>,
        tpu.vector_store %arg10[%swap3A_187, %swap3A_188], %mul3A_186 {strides = array<i32>} : memref<40x128xf32, #tpu.memory_space<vmem>>, vector<16xf32>,
        %get3A_190 = arith.index_cast %scan3A_141 : i32 to index
        %get3A_191 = arith.constant 32 : index
        %get3A_192 = tpu.vector_load %arg8[%get3A_190, %get3A_191] {strides = array<i32>} : memref<40x64xi32, #tpu.memory_space<vmem>>, vector<16xi32>,
        %shift_left3A_193 = arith.constant 16 : i32
        %shift_left3A_194 = vector.broadcast %shift_left3A_193 : i32 to vector<16xi32>
        %shift_left3A_195 = arith.shli %get3A_192, %shift_left3A_194 : vector<16xi32>
        %bitcast3A_196 = vector.bitcast %shift_left3A_195 : vector<16xi32> to vector<16xf32>
        %and3A_197 = arith.constant -65536 : i32
        %and3A_198 = vector.broadcast %and3A_197 : i32 to vector<16xi32>
        %and3A_199 = arith.andi %get3A_192, %and3A_198 : vector<16xi32>
        %bitcast3A_200 = vector.bitcast %and3A_199 : vector<16xi32> to vector<16xf32>
        %get3A_201 = arith.index_cast %scan3A_141 : i32 to index
        %get3A_202 = arith.constant 32 : index
        %get3A_203 = tpu.vector_load %arg10[%get3A_201, %get3A_202] {strides = array<i32>} : memref<40x128xf32, #tpu.memory_space<vmem>>, vector<16xf32>,
        %mul3A_204 = arith.mulf %get3A_203, %bitcast3A_196 : vector<16xf32>
        %swap3A_205 = arith.index_cast %scan3A_141 : i32 to index
        %swap3A_206 = arith.constant 32 : index
        %swap3A_207 = tpu.vector_load %arg10[%swap3A_205, %swap3A_206] {strides = array<i32>} : memref<40x128xf32, #tpu.memory_space<vmem>>, vector<16xf32>,
        tpu.vector_store %arg10[%swap3A_205, %swap3A_206], %mul3A_204 {strides = array<i32>} : memref<40x128xf32, #tpu.memory_space<vmem>>, vector<16xf32>,
        %get3A_208 = arith.index_cast %scan3A_141 : i32 to index
        %get3A_209 = arith.constant 96 : index
        %get3A_210 = tpu.vector_load %arg10[%get3A_208, %get3A_209] {strides = array<i32>} : memref<40x128xf32, #tpu.memory_space<vmem>>, vector<16xf32>,
        %mul3A_211 = arith.mulf %get3A_210, %bitcast3A_200 : vector<16xf32>
        %swap3A_212 = arith.index_cast %scan3A_141 : i32 to index
        %swap3A_213 = arith.constant 96 : index
        %swap3A_214 = tpu.vector_load %arg10[%swap3A_212, %swap3A_213] {strides = array<i32>} : memref<40x128xf32, #tpu.memory_space<vmem>>, vector<16xf32>,
        tpu.vector_store %arg10[%swap3A_212, %swap3A_213], %mul3A_211 {strides = array<i32>} : memref<40x128xf32, #tpu.memory_space<vmem>>, vector<16xf32>,
        %get3A_215 = arith.index_cast %scan3A_141 : i32 to index
        %get3A_216 = arith.constant 48 : index
        %get3A_217 = tpu.vector_load %arg8[%get3A_215, %get3A_216] {strides = array<i32>} : memref<40x64xi32, #tpu.memory_space<vmem>>, vector<16xi32>,
        %shift_left3A_218 = arith.constant 16 : i32
        %shift_left3A_219 = vector.broadcast %shift_left3A_218 : i32 to vector<16xi32>
        %shift_left3A_220 = arith.shli %get3A_217, %shift_left3A_219 : vector<16xi32>
        %bitcast3A_221 = vector.bitcast %shift_left3A_220 : vector<16xi32> to vector<16xf32>
        %and3A_222 = arith.constant -65536 : i32
        %and3A_223 = vector.broadcast %and3A_222 : i32 to vector<16xi32>
        %and3A_224 = arith.andi %get3A_217, %and3A_223 : vector<16xi32>
        %bitcast3A_225 = vector.bitcast %and3A_224 : vector<16xi32> to vector<16xf32>
        %get3A_226 = arith.index_cast %scan3A_141 : i32 to index
        %get3A_227 = arith.constant 48 : index
        %get3A_228 = tpu.vector_load %arg10[%get3A_226, %get3A_227] {strides = array<i32>} : memref<40x128xf32, #tpu.memory_space<vmem>>, vector<16xf32>,
        %mul3A_229 = arith.mulf %get3A_228, %bitcast3A_221 : vector<16xf32>
        %swap3A_230 = arith.index_cast %scan3A_141 : i32 to index
        %swap3A_231 = arith.constant 48 : index
        %swap3A_232 = tpu.vector_load %arg10[%swap3A_230, %swap3A_231] {strides = array<i32>} : memref<40x128xf32, #tpu.memory_space<vmem>>, vector<16xf32>,
        tpu.vector_store %arg10[%swap3A_230, %swap3A_231], %mul3A_229 {strides = array<i32>} : memref<40x128xf32, #tpu.memory_space<vmem>>, vector<16xf32>,
        %get3A_233 = arith.index_cast %scan3A_141 : i32 to index
        %get3A_234 = arith.constant 112 : index
        %get3A_235 = tpu.vector_load %arg10[%get3A_233, %get3A_234] {strides = array<i32>} : memref<40x128xf32, #tpu.memory_space<vmem>>, vector<16xf32>,
        %mul3A_236 = arith.mulf %get3A_235, %bitcast3A_225 : vector<16xf32>
        %swap3A_237 = arith.index_cast %scan3A_141 : i32 to index
        %swap3A_238 = arith.constant 112 : index
        %swap3A_239 = tpu.vector_load %arg10[%swap3A_237, %swap3A_238] {strides = array<i32>} : memref<40x128xf32, #tpu.memory_space<vmem>>, vector<16xf32>,
        tpu.vector_store %arg10[%swap3A_237, %swap3A_238], %mul3A_236 {strides = array<i32>} : memref<40x128xf32, #tpu.memory_space<vmem>>, vector<16xf32>,
        %scan3A_240 = arith.constant 0 : i32
        scf.yield %scan3A_240 : i32
      }
      %scan3A_88 = arith.constant 40 : i32
      %get3A = arith.constant 0 : index
      %get3A_89 = tpu.vector_load %arg14[%get3A] {strides = array<i32>} : memref<40xi32, #tpu.memory_space<vmem>>, vector<16xi32>,
      %swap3A = arith.constant 0 : index
      %swap3A_90 = tpu.vector_load %arg16[%swap3A] {strides = array<i32>} : memref<40xi32, #tpu.memory_space<vmem>>, vector<16xi32>,
      tpu.vector_store %arg16[%swap3A], %get3A_89 {strides = array<i32>} : memref<40xi32, #tpu.memory_space<vmem>>, vector<16xi32>,
      %get3A_91 = arith.constant 16 : index
      %get3A_92 = tpu.vector_load %arg14[%get3A_91] {strides = array<i32>} : memref<40xi32, #tpu.memory_space<vmem>>, vector<16xi32>,
      %swap3A_93 = arith.constant 16 : index
      %swap3A_94 = tpu.vector_load %arg16[%swap3A_93] {strides = array<i32>} : memref<40xi32, #tpu.memory_space<vmem>>, vector<16xi32>,
      tpu.vector_store %arg16[%swap3A_93], %get3A_92 {strides = array<i32>} : memref<40xi32, #tpu.memory_space<vmem>>, vector<16xi32>,
      %get3A_95 = arith.constant 24 : index
      %get3A_96 = tpu.vector_load %arg14[%get3A_95] {strides = array<i32>} : memref<40xi32, #tpu.memory_space<vmem>>, vector<16xi32>,
      %swap3A_97 = arith.constant 24 : index
      %swap3A_98 = tpu.vector_load %arg16[%swap3A_97] {strides = array<i32>} : memref<40xi32, #tpu.memory_space<vmem>>, vector<16xi32>,
      tpu.vector_store %arg16[%swap3A_97], %get3A_96 {strides = array<i32>} : memref<40xi32, #tpu.memory_space<vmem>>, vector<16xi32>,
      %dma_start3A_99 = arith.constant 0 : i32
      %dma_start3A_100 = arith.constant 0 : i32
      %dma_start3A_101 = tpu.memref_slice %arg24[%dma_start3A_99, %dma_start3A_100] : memref<10240x128xf32, #tpu.memory_space<vmem_shared>> -> memref<10240x128xf32, #tpu.memory_space<vmem_shared>>
      tpu.enqueue_indirect_dma source(%arg10 : memref<40x128xf32, #tpu.memory_space<vmem>>) target(%dma_start3A_101 : memref<10240x128xf32, #tpu.memory_space<vmem_shared>>) offsets(%arg16 : memref<40xi32, #tpu.memory_space<vmem>>) semaphore(%arg22 : memref<!tpu.dma_semaphore, #tpu.memory_space<semaphore_mem>>) {add = true}
      %add3A_102 = arith.constant 1 : i32
      %add3A_103 = arith.addi %scan3A_36, %add3A_102 : i32
      %lt3A = arith.constant 125 : i32
      %lt3A_104 = arith.cmpi slt, %add3A_103, %lt3A : i32
      %convert_element_type3A_105 = arith.extui %lt3A_104 : i1 to i32
      %cond3A_106 = arith.constant 0 : i32
      %cond3A_107 = arith.cmpi ne, %convert_element_type3A_105, %cond3A_106 : i32
      scf.if %cond3A_107 {
        %mul3A_141 = arith.constant 2 : i32
        %mul3A_142 = arith.muli %mul3A_141, %scan3A_36 : i32
        %add3A_143 = arith.constant 2 : i32
        %add3A_144 = arith.addi %mul3A_142, %add3A_143 : i32
        %mul3A_145 = arith.constant 40 : i32
        %mul3A_146 = arith.muli %add3A_144, %mul3A_145 : i32
        %add3A_147 = arith.addi %mul3A_2, %mul3A_146 : i32
        %dma_start3A_148 = tpu.memref_slice %arg3[%add3A_147] : memref<320000xi32, #tpu.memory_space<hbm>> -> memref<40xi32, #tpu.memory_space<hbm>>
        %dma_start3A_149 = tpu.memref_slice %arg3[%add3A_147] : memref<320000xi32, #tpu.memory_space<hbm>> -> memref<40xi32, #tpu.memory_space<hbm>>
        tpu.enqueue_dma source(%dma_start3A_149 : memref<40xi32, #tpu.memory_space<hbm>>) target(%arg12 : memref<40xi32, #tpu.memory_space<vmem>>) target_semaphore(%arg18 : memref<!tpu.dma_semaphore, #tpu.memory_space<semaphore_mem>>)
        %dma_start3A_150 = tpu.memref_slice %arg4[%add3A_147] : memref<320000xi32, #tpu.memory_space<hbm>> -> memref<40xi32, #tpu.memory_space<hbm>>
        %dma_start3A_151 = tpu.memref_slice %arg4[%add3A_147] : memref<320000xi32, #tpu.memory_space<hbm>> -> memref<40xi32, #tpu.memory_space<hbm>>
        tpu.enqueue_dma source(%dma_start3A_151 : memref<40xi32, #tpu.memory_space<hbm>>) target(%arg14 : memref<40xi32, #tpu.memory_space<vmem>>) target_semaphore(%arg18 : memref<!tpu.dma_semaphore, #tpu.memory_space<semaphore_mem>>)
        %dma_start3A_152 = arith.constant 0 : i32
        %dma_start3A_153 = tpu.memref_slice %arg2[%add3A_147, %dma_start3A_152] : memref<320000x64xi32, #tpu.memory_space<hbm>> -> memref<40x64xi32, #tpu.memory_space<hbm>>
        %dma_start3A_154 = arith.constant 0 : i32
        %dma_start3A_155 = tpu.memref_slice %arg2[%add3A_147, %dma_start3A_154] : memref<320000x64xi32, #tpu.memory_space<hbm>> -> memref<40x64xi32, #tpu.memory_space<hbm>>
        tpu.enqueue_dma source(%dma_start3A_155 : memref<40x64xi32, #tpu.memory_space<hbm>>) target(%arg8 : memref<40x64xi32, #tpu.memory_space<vmem>>) target_semaphore(%arg18 : memref<!tpu.dma_semaphore, #tpu.memory_space<semaphore_mem>>)
      } else {
      }
      %dma_wait3A_108 = arith.constant 0 : i32
      %dma_wait3A_109 = arith.constant 0 : i32
      %dma_wait3A_110 = tpu.memref_slice %arg5[%dma_wait3A_108, %dma_wait3A_109] : memref<10000x128xf32, #tpu.memory_space<hbm>> -> memref<10000x128xf32, #tpu.memory_space<hbm>>
      tpu.wait_indirect_dma semaphore(%arg21 : memref<!tpu.dma_semaphore, #tpu.memory_space<semaphore_mem>>) src(%dma_wait3A_110 : memref<10000x128xf32, #tpu.memory_space<hbm>>) dst(%arg11 : memref<40x128xf32, #tpu.memory_space<vmem>>)
      %scan3A_111 = arith.constant 0 : i32
      %scan3A_112 = arith.constant 0 : i32
      %scan3A_113 = arith.constant 40 : i32
      %scan3A_114 = arith.addi %scan3A_112, %scan3A_113 : i32
      %scan3A_115 = arith.constant 1 : i32
      %scan3A_116 = scf.for %scan3A_141 = %scan3A_112 to %scan3A_114 step %scan3A_115 iter_args(%scan3A_142 = %scan3A_111) -> (i32)  : i32 {
        %get3A_143 = arith.index_cast %scan3A_141 : i32 to index
        %get3A_144 = arith.constant 0 : index
        %get3A_145 = tpu.vector_load %arg9[%get3A_143, %get3A_144] {strides = array<i32>} : memref<40x64xi32, #tpu.memory_space<vmem>>, vector<16xi32>,
        %shift_left3A = arith.constant 16 : i32
        %shift_left3A_146 = vector.broadcast %shift_left3A : i32 to vector<16xi32>
        %shift_left3A_147 = arith.shli %get3A_145, %shift_left3A_146 : vector<16xi32>
        %bitcast3A = vector.bitcast %shift_left3A_147 : vector<16xi32> to vector<16xf32>
        %and3A = arith.constant -65536 : i32
        %and3A_148 = vector.broadcast %and3A : i32 to vector<16xi32>
        %and3A_149 = arith.andi %get3A_145, %and3A_148 : vector<16xi32>
        %bitcast3A_150 = vector.bitcast %and3A_149 : vector<16xi32> to vector<16xf32>
        %get3A_151 = arith.index_cast %scan3A_141 : i32 to index
        %get3A_152 = arith.constant 0 : index
        %get3A_153 = tpu.vector_load %arg11[%get3A_151, %get3A_152] {strides = array<i32>} : memref<40x128xf32, #tpu.memory_space<vmem>>, vector<16xf32>,
        %mul3A_154 = arith.mulf %get3A_153, %bitcast3A : vector<16xf32>
        %swap3A_155 = arith.index_cast %scan3A_141 : i32 to index
        %swap3A_156 = arith.constant 0 : index
        %swap3A_157 = tpu.vector_load %arg11[%swap3A_155, %swap3A_156] {strides = array<i32>} : memref<40x128xf32, #tpu.memory_space<vmem>>, vector<16xf32>,
        tpu.vector_store %arg11[%swap3A_155, %swap3A_156], %mul3A_154 {strides = array<i32>} : memref<40x128xf32, #tpu.memory_space<vmem>>, vector<16xf32>,
        %get3A_158 = arith.index_cast %scan3A_141 : i32 to index
        %get3A_159 = arith.constant 64 : index
        %get3A_160 = tpu.vector_load %arg11[%get3A_158, %get3A_159] {strides = array<i32>} : memref<40x128xf32, #tpu.memory_space<vmem>>, vector<16xf32>,
        %mul3A_161 = arith.mulf %get3A_160, %bitcast3A_150 : vector<16xf32>
        %swap3A_162 = arith.index_cast %scan3A_141 : i32 to index
        %swap3A_163 = arith.constant 64 : index
        %swap3A_164 = tpu.vector_load %arg11[%swap3A_162, %swap3A_163] {strides = array<i32>} : memref<40x128xf32, #tpu.memory_space<vmem>>, vector<16xf32>,
        tpu.vector_store %arg11[%swap3A_162, %swap3A_163], %mul3A_161 {strides = array<i32>} : memref<40x128xf32, #tpu.memory_space<vmem>>, vector<16xf32>,
        %get3A_165 = arith.index_cast %scan3A_141 : i32 to index
        %get3A_166 = arith.constant 16 : index
        %get3A_167 = tpu.vector_load %arg9[%get3A_165, %get3A_166] {strides = array<i32>} : memref<40x64xi32, #tpu.memory_space<vmem>>, vector<16xi32>,
        %shift_left3A_168 = arith.constant 16 : i32
        %shift_left3A_169 = vector.broadcast %shift_left3A_168 : i32 to vector<16xi32>
        %shift_left3A_170 = arith.shli %get3A_167, %shift_left3A_169 : vector<16xi32>
        %bitcast3A_171 = vector.bitcast %shift_left3A_170 : vector<16xi32> to vector<16xf32>
        %and3A_172 = arith.constant -65536 : i32
        %and3A_173 = vector.broadcast %and3A_172 : i32 to vector<16xi32>
        %and3A_174 = arith.andi %get3A_167, %and3A_173 : vector<16xi32>
        %bitcast3A_175 = vector.bitcast %and3A_174 : vector<16xi32> to vector<16xf32>
        %get3A_176 = arith.index_cast %scan3A_141 : i32 to index
        %get3A_177 = arith.constant 16 : index
        %get3A_178 = tpu.vector_load %arg11[%get3A_176, %get3A_177] {strides = array<i32>} : memref<40x128xf32, #tpu.memory_space<vmem>>, vector<16xf32>,
        %mul3A_179 = arith.mulf %get3A_178, %bitcast3A_171 : vector<16xf32>
        %swap3A_180 = arith.index_cast %scan3A_141 : i32 to index
        %swap3A_181 = arith.constant 16 : index
        %swap3A_182 = tpu.vector_load %arg11[%swap3A_180, %swap3A_181] {strides = array<i32>} : memref<40x128xf32, #tpu.memory_space<vmem>>, vector<16xf32>,
        tpu.vector_store %arg11[%swap3A_180, %swap3A_181], %mul3A_179 {strides = array<i32>} : memref<40x128xf32, #tpu.memory_space<vmem>>, vector<16xf32>,
        %get3A_183 = arith.index_cast %scan3A_141 : i32 to index
        %get3A_184 = arith.constant 80 : index
        %get3A_185 = tpu.vector_load %arg11[%get3A_183, %get3A_184] {strides = array<i32>} : memref<40x128xf32, #tpu.memory_space<vmem>>, vector<16xf32>,
        %mul3A_186 = arith.mulf %get3A_185, %bitcast3A_175 : vector<16xf32>
        %swap3A_187 = arith.index_cast %scan3A_141 : i32 to index
        %swap3A_188 = arith.constant 80 : index
        %swap3A_189 = tpu.vector_load %arg11[%swap3A_187, %swap3A_188] {strides = array<i32>} : memref<40x128xf32, #tpu.memory_space<vmem>>, vector<16xf32>,
        tpu.vector_store %arg11[%swap3A_187, %swap3A_188], %mul3A_186 {strides = array<i32>} : memref<40x128xf32, #tpu.memory_space<vmem>>, vector<16xf32>,
        %get3A_190 = arith.index_cast %scan3A_141 : i32 to index
        %get3A_191 = arith.constant 32 : index
        %get3A_192 = tpu.vector_load %arg9[%get3A_190, %get3A_191] {strides = array<i32>} : memref<40x64xi32, #tpu.memory_space<vmem>>, vector<16xi32>,
        %shift_left3A_193 = arith.constant 16 : i32
        %shift_left3A_194 = vector.broadcast %shift_left3A_193 : i32 to vector<16xi32>
        %shift_left3A_195 = arith.shli %get3A_192, %shift_left3A_194 : vector<16xi32>
        %bitcast3A_196 = vector.bitcast %shift_left3A_195 : vector<16xi32> to vector<16xf32>
        %and3A_197 = arith.constant -65536 : i32
        %and3A_198 = vector.broadcast %and3A_197 : i32 to vector<16xi32>
        %and3A_199 = arith.andi %get3A_192, %and3A_198 : vector<16xi32>
        %bitcast3A_200 = vector.bitcast %and3A_199 : vector<16xi32> to vector<16xf32>
        %get3A_201 = arith.index_cast %scan3A_141 : i32 to index
        %get3A_202 = arith.constant 32 : index
        %get3A_203 = tpu.vector_load %arg11[%get3A_201, %get3A_202] {strides = array<i32>} : memref<40x128xf32, #tpu.memory_space<vmem>>, vector<16xf32>,
        %mul3A_204 = arith.mulf %get3A_203, %bitcast3A_196 : vector<16xf32>
        %swap3A_205 = arith.index_cast %scan3A_141 : i32 to index
        %swap3A_206 = arith.constant 32 : index
        %swap3A_207 = tpu.vector_load %arg11[%swap3A_205, %swap3A_206] {strides = array<i32>} : memref<40x128xf32, #tpu.memory_space<vmem>>, vector<16xf32>,
        tpu.vector_store %arg11[%swap3A_205, %swap3A_206], %mul3A_204 {strides = array<i32>} : memref<40x128xf32, #tpu.memory_space<vmem>>, vector<16xf32>,
        %get3A_208 = arith.index_cast %scan3A_141 : i32 to index
        %get3A_209 = arith.constant 96 : index
        %get3A_210 = tpu.vector_load %arg11[%get3A_208, %get3A_209] {strides = array<i32>} : memref<40x128xf32, #tpu.memory_space<vmem>>, vector<16xf32>,
        %mul3A_211 = arith.mulf %get3A_210, %bitcast3A_200 : vector<16xf32>
        %swap3A_212 = arith.index_cast %scan3A_141 : i32 to index
        %swap3A_213 = arith.constant 96 : index
        %swap3A_214 = tpu.vector_load %arg11[%swap3A_212, %swap3A_213] {strides = array<i32>} : memref<40x128xf32, #tpu.memory_space<vmem>>, vector<16xf32>,
        tpu.vector_store %arg11[%swap3A_212, %swap3A_213], %mul3A_211 {strides = array<i32>} : memref<40x128xf32, #tpu.memory_space<vmem>>, vector<16xf32>,
        %get3A_215 = arith.index_cast %scan3A_141 : i32 to index
        %get3A_216 = arith.constant 48 : index
        %get3A_217 = tpu.vector_load %arg9[%get3A_215, %get3A_216] {strides = array<i32>} : memref<40x64xi32, #tpu.memory_space<vmem>>, vector<16xi32>,
        %shift_left3A_218 = arith.constant 16 : i32
        %shift_left3A_219 = vector.broadcast %shift_left3A_218 : i32 to vector<16xi32>
        %shift_left3A_220 = arith.shli %get3A_217, %shift_left3A_219 : vector<16xi32>
        %bitcast3A_221 = vector.bitcast %shift_left3A_220 : vector<16xi32> to vector<16xf32>
        %and3A_222 = arith.constant -65536 : i32
        %and3A_223 = vector.broadcast %and3A_222 : i32 to vector<16xi32>
        %and3A_224 = arith.andi %get3A_217, %and3A_223 : vector<16xi32>
        %bitcast3A_225 = vector.bitcast %and3A_224 : vector<16xi32> to vector<16xf32>
        %get3A_226 = arith.index_cast %scan3A_141 : i32 to index
        %get3A_227 = arith.constant 48 : index
        %get3A_228 = tpu.vector_load %arg11[%get3A_226, %get3A_227] {strides = array<i32>} : memref<40x128xf32, #tpu.memory_space<vmem>>, vector<16xf32>,
        %mul3A_229 = arith.mulf %get3A_228, %bitcast3A_221 : vector<16xf32>
        %swap3A_230 = arith.index_cast %scan3A_141 : i32 to index
        %swap3A_231 = arith.constant 48 : index
        %swap3A_232 = tpu.vector_load %arg11[%swap3A_230, %swap3A_231] {strides = array<i32>} : memref<40x128xf32, #tpu.memory_space<vmem>>, vector<16xf32>,
        tpu.vector_store %arg11[%swap3A_230, %swap3A_231], %mul3A_229 {strides = array<i32>} : memref<40x128xf32, #tpu.memory_space<vmem>>, vector<16xf32>,
        %get3A_233 = arith.index_cast %scan3A_141 : i32 to index
        %get3A_234 = arith.constant 112 : index
        %get3A_235 = tpu.vector_load %arg11[%get3A_233, %get3A_234] {strides = array<i32>} : memref<40x128xf32, #tpu.memory_space<vmem>>, vector<16xf32>,
        %mul3A_236 = arith.mulf %get3A_235, %bitcast3A_225 : vector<16xf32>
        %swap3A_237 = arith.index_cast %scan3A_141 : i32 to index
        %swap3A_238 = arith.constant 112 : index
        %swap3A_239 = tpu.vector_load %arg11[%swap3A_237, %swap3A_238] {strides = array<i32>} : memref<40x128xf32, #tpu.memory_space<vmem>>, vector<16xf32>,
        tpu.vector_store %arg11[%swap3A_237, %swap3A_238], %mul3A_236 {strides = array<i32>} : memref<40x128xf32, #tpu.memory_space<vmem>>, vector<16xf32>,
        %scan3A_240 = arith.constant 0 : i32
        scf.yield %scan3A_240 : i32
      }
      %scan3A_117 = arith.constant 40 : i32
      %get3A_118 = arith.constant 0 : index
      %get3A_119 = tpu.vector_load %arg15[%get3A_118] {strides = array<i32>} : memref<40xi32, #tpu.memory_space<vmem>>, vector<16xi32>,
      %swap3A_120 = arith.constant 0 : index
      %swap3A_121 = tpu.vector_load %arg17[%swap3A_120] {strides = array<i32>} : memref<40xi32, #tpu.memory_space<vmem>>, vector<16xi32>,
      tpu.vector_store %arg17[%swap3A_120], %get3A_119 {strides = array<i32>} : memref<40xi32, #tpu.memory_space<vmem>>, vector<16xi32>,
      %get3A_122 = arith.constant 16 : index
      %get3A_123 = tpu.vector_load %arg15[%get3A_122] {strides = array<i32>} : memref<40xi32, #tpu.memory_space<vmem>>, vector<16xi32>,
      %swap3A_124 = arith.constant 16 : index
      %swap3A_125 = tpu.vector_load %arg17[%swap3A_124] {strides = array<i32>} : memref<40xi32, #tpu.memory_space<vmem>>, vector<16xi32>,
      tpu.vector_store %arg17[%swap3A_124], %get3A_123 {strides = array<i32>} : memref<40xi32, #tpu.memory_space<vmem>>, vector<16xi32>,
      %get3A_126 = arith.constant 24 : index
      %get3A_127 = tpu.vector_load %arg15[%get3A_126] {strides = array<i32>} : memref<40xi32, #tpu.memory_space<vmem>>, vector<16xi32>,
      %swap3A_128 = arith.constant 24 : index
      %swap3A_129 = tpu.vector_load %arg17[%swap3A_128] {strides = array<i32>} : memref<40xi32, #tpu.memory_space<vmem>>, vector<16xi32>,
      tpu.vector_store %arg17[%swap3A_128], %get3A_127 {strides = array<i32>} : memref<40xi32, #tpu.memory_space<vmem>>, vector<16xi32>,
      %dma_start3A_130 = arith.constant 0 : i32
      %dma_start3A_131 = arith.constant 0 : i32
      %dma_start3A_132 = tpu.memref_slice %arg24[%dma_start3A_130, %dma_start3A_131] : memref<10240x128xf32, #tpu.memory_space<vmem_shared>> -> memref<10240x128xf32, #tpu.memory_space<vmem_shared>>
      tpu.enqueue_indirect_dma source(%arg11 : memref<40x128xf32, #tpu.memory_space<vmem>>) target(%dma_start3A_132 : memref<10240x128xf32, #tpu.memory_space<vmem_shared>>) offsets(%arg17 : memref<40xi32, #tpu.memory_space<vmem>>) semaphore(%arg23 : memref<!tpu.dma_semaphore, #tpu.memory_space<semaphore_mem>>) {add = true}
      %add3A_133 = arith.constant 1 : i32
      %add3A_134 = arith.addi %scan3A_36, %add3A_133 : i32
      %lt3A_135 = arith.constant 125 : i32
      %lt3A_136 = arith.cmpi slt, %add3A_134, %lt3A_135 : i32
      %convert_element_type3A_137 = arith.extui %lt3A_136 : i1 to i32
      %cond3A_138 = arith.constant 0 : i32
      %cond3A_139 = arith.cmpi ne, %convert_element_type3A_137, %cond3A_138 : i32
      scf.if %cond3A_139 {
        %mul3A_141 = arith.constant 2 : i32
        %mul3A_142 = arith.muli %mul3A_141, %scan3A_36 : i32
        %add3A_143 = arith.constant 3 : i32
        %add3A_144 = arith.addi %mul3A_142, %add3A_143 : i32
        %mul3A_145 = arith.constant 40 : i32
        %mul3A_146 = arith.muli %add3A_144, %mul3A_145 : i32
        %add3A_147 = arith.addi %mul3A_2, %mul3A_146 : i32
        %dma_start3A_148 = tpu.memref_slice %arg3[%add3A_147] : memref<320000xi32, #tpu.memory_space<hbm>> -> memref<40xi32, #tpu.memory_space<hbm>>
        %dma_start3A_149 = tpu.memref_slice %arg3[%add3A_147] : memref<320000xi32, #tpu.memory_space<hbm>> -> memref<40xi32, #tpu.memory_space<hbm>>
        tpu.enqueue_dma source(%dma_start3A_149 : memref<40xi32, #tpu.memory_space<hbm>>) target(%arg13 : memref<40xi32, #tpu.memory_space<vmem>>) target_semaphore(%arg19 : memref<!tpu.dma_semaphore, #tpu.memory_space<semaphore_mem>>)
        %dma_start3A_150 = tpu.memref_slice %arg4[%add3A_147] : memref<320000xi32, #tpu.memory_space<hbm>> -> memref<40xi32, #tpu.memory_space<hbm>>
        %dma_start3A_151 = tpu.memref_slice %arg4[%add3A_147] : memref<320000xi32, #tpu.memory_space<hbm>> -> memref<40xi32, #tpu.memory_space<hbm>>
        tpu.enqueue_dma source(%dma_start3A_151 : memref<40xi32, #tpu.memory_space<hbm>>) target(%arg15 : memref<40xi32, #tpu.memory_space<vmem>>) target_semaphore(%arg19 : memref<!tpu.dma_semaphore, #tpu.memory_space<semaphore_mem>>)
        %dma_start3A_152 = arith.constant 0 : i32
        %dma_start3A_153 = tpu.memref_slice %arg2[%add3A_147, %dma_start3A_152] : memref<320000x64xi32, #tpu.memory_space<hbm>> -> memref<40x64xi32, #tpu.memory_space<hbm>>
        %dma_start3A_154 = arith.constant 0 : i32
        %dma_start3A_155 = tpu.memref_slice %arg2[%add3A_147, %dma_start3A_154] : memref<320000x64xi32, #tpu.memory_space<hbm>> -> memref<40x64xi32, #tpu.memory_space<hbm>>
        tpu.enqueue_dma source(%dma_start3A_155 : memref<40x64xi32, #tpu.memory_space<hbm>>) target(%arg9 : memref<40x64xi32, #tpu.memory_space<vmem>>) target_semaphore(%arg19 : memref<!tpu.dma_semaphore, #tpu.memory_space<semaphore_mem>>)
      } else {
      }
      %scan3A_140 = arith.constant 0 : i32
      scf.yield %scan3A_140 : i32
    }
    %scan3A_29 = arith.constant 125 : i32
    %dma_wait3A = arith.constant 0 : i32
    %dma_wait3A_30 = arith.constant 0 : i32
    %dma_wait3A_31 = tpu.memref_slice %arg24[%dma_wait3A, %dma_wait3A_30] : memref<10240x128xf32, #tpu.memory_space<vmem_shared>> -> memref<10240x128xf32, #tpu.memory_space<vmem_shared>>
    tpu.wait_indirect_dma semaphore(%arg22 : memref<!tpu.dma_semaphore, #tpu.memory_space<semaphore_mem>>) src(%arg10 : memref<40x128xf32, #tpu.memory_space<vmem>>) dst(%dma_wait3A_31 : memref<10240x128xf32, #tpu.memory_space<vmem_shared>>)
    %dma_wait3A_32 = arith.constant 0 : i32
    %dma_wait3A_33 = arith.constant 0 : i32
    %dma_wait3A_34 = tpu.memref_slice %arg24[%dma_wait3A_32, %dma_wait3A_33] : memref<10240x128xf32, #tpu.memory_space<vmem_shared>> -> memref<10240x128xf32, #tpu.memory_space<vmem_shared>>
    tpu.wait_indirect_dma semaphore(%arg23 : memref<!tpu.dma_semaphore, #tpu.memory_space<semaphore_mem>>) src(%arg11 : memref<40x128xf32, #tpu.memory_space<vmem>>) dst(%dma_wait3A_34 : memref<10240x128xf32, #tpu.memory_space<vmem_shared>>)
    %barrier3A_35 = arith.constant 0 : index
    tpu.barrier barrier_id(%barrier3A_35)
    "tpu.region"() ({
      %run_scoped3A = tpu.sem_alloc : memref<!tpu.dma_semaphore, #tpu.memory_space<semaphore_mem>>
      %dma_start3A_36 = arith.constant 0 : i32
      %dma_start3A_37 = tpu.memref_slice %arg7[%arg0, %mul3A_4, %dma_start3A_36] : memref<2x10240x128xf32, #tpu.memory_space<hbm>> -> memref<1x640x128xf32, #tpu.memory_space<hbm>>
      %dma_start3A_38 = tpu.memref_squeeze %dma_start3A_37 : memref<1x640x128xf32, #tpu.memory_space<hbm>> -> memref<640x128xf32, #tpu.memory_space<hbm>>
      %dma_start3A_39 = arith.constant 0 : i32
      %dma_start3A_40 = tpu.memref_slice %arg24[%mul3A_4, %dma_start3A_39] : memref<10240x128xf32, #tpu.memory_space<vmem_shared>> -> memref<640x128xf32, #tpu.memory_space<vmem_shared>>
      tpu.enqueue_dma source(%dma_start3A_40 : memref<640x128xf32, #tpu.memory_space<vmem_shared>>) target(%dma_start3A_38 : memref<640x128xf32, #tpu.memory_space<hbm>>) target_semaphore(%run_scoped3A : memref<!tpu.dma_semaphore, #tpu.memory_space<semaphore_mem>>)
      %dma_wait3A_41 = arith.constant 0 : i32
      %dma_wait3A_42 = tpu.memref_slice %arg7[%arg0, %mul3A_4, %dma_wait3A_41] : memref<2x10240x128xf32, #tpu.memory_space<hbm>> -> memref<1x640x128xf32, #tpu.memory_space<hbm>>
      %dma_wait3A_43 = tpu.memref_squeeze %dma_wait3A_42 : memref<1x640x128xf32, #tpu.memory_space<hbm>> -> memref<640x128xf32, #tpu.memory_space<hbm>>
      %dma_wait3A_44 = arith.constant 0 : i32
      %dma_wait3A_45 = tpu.memref_slice %arg24[%mul3A_4, %dma_wait3A_44] : memref<10240x128xf32, #tpu.memory_space<vmem_shared>> -> memref<640x128xf32, #tpu.memory_space<vmem_shared>>
      tpu.wait_dma2 semaphore(%run_scoped3A : memref<!tpu.dma_semaphore, #tpu.memory_space<semaphore_mem>>) src(%dma_wait3A_45 : memref<640x128xf32, #tpu.memory_space<vmem_shared>>) dst(%dma_wait3A_43 : memref<640x128xf32, #tpu.memory_space<hbm>>)
      tpu.yield
    }) : () -> ()
    return
  }
}

#map = affine_map<(d0, d1) -> (0)>
#map1 = affine_map<(d0, d1) -> (0, 0)>
module attributes {stable_mosaic.version = 14 : i64} {
  func.func @_rel_body(%arg0: i32, %arg1: i32, %arg2: memref<10000xf32, #tpu.memory_space<hbm>>, %arg3: memref<10000xf32, #tpu.memory_space<hbm>>, %arg4: memref<10000xf32, #tpu.memory_space<hbm>>, %arg5: memref<10000xf32, #tpu.memory_space<hbm>>, %arg6: memref<10000xf32, #tpu.memory_space<hbm>>, %arg7: memref<10000xf32, #tpu.memory_space<hbm>>, %arg8: memref<320000xi32, #tpu.memory_space<hbm>>, %arg9: memref<320000xi32, #tpu.memory_space<hbm>>, %arg10: memref<2560x125xi32, #tpu.memory_space<hbm>>, %arg11: memref<640xf32, #tpu.memory_space<hbm>>, %arg12: memref<125xf32, #tpu.memory_space<hbm>>, %arg13: memref<320000xf32, #tpu.memory_space<hbm>>, %arg14: memref<320000xf32, #tpu.memory_space<hbm>>, %arg15: memref<320000xf32, #tpu.memory_space<hbm>>, %arg16: memref<2x10240xf32, #tpu.memory_space<hbm>>, %arg17: memref<10000xf32, #tpu.memory_space<vmem>>, %arg18: memref<10000xf32, #tpu.memory_space<vmem>>, %arg19: memref<10000xf32, #tpu.memory_space<vmem>>, %arg20: memref<10000xf32, #tpu.memory_space<vmem>>, %arg21: memref<10000xf32, #tpu.memory_space<vmem>>, %arg22: memref<10000xf32, #tpu.memory_space<vmem>>, %arg23: memref<2000xi32, #tpu.memory_space<vmem>>, %arg24: memref<2000xi32, #tpu.memory_space<vmem>>, %arg25: memref<2000xf32, #tpu.memory_space<vmem>>, %arg26: memref<2000xf32, #tpu.memory_space<vmem>>, %arg27: memref<2000xf32, #tpu.memory_space<vmem>>, %arg28: memref<16x125xi32, #tpu.memory_space<vmem>>, %arg29: memref<125xf32, #tpu.memory_space<vmem>>, %arg30: memref<!tpu.dma_semaphore, #tpu.memory_space<semaphore_mem>>, %arg31: memref<10240xf32, #tpu.memory_space<vmem_shared>>) attributes {dimension_semantics = [#tpu.dimension_semantics<core_parallel>, #tpu.dimension_semantics<subcore_parallel>], iteration_bounds = array<i64: 2, 16>, scalar_prefetch = 0 : i64, scratch_operands = 15 : i64, tpu.core_type = #tpu.core_type<sc_vector_subcore>, window_params = [{transform_indices = #map}, {transform_indices = #map}, {transform_indices = #map}, {transform_indices = #map}, {transform_indices = #map}, {transform_indices = #map}, {transform_indices = #map}, {transform_indices = #map}, {transform_indices = #map1}, {transform_indices = #map}, {transform_indices = #map}, {transform_indices = #map}, {transform_indices = #map}, {transform_indices = #map}, {transform_indices = #map1}]} {
    %mul3A = arith.constant 16 : i32
    %mul3A_0 = arith.muli %arg0, %mul3A : i32
    %add3A = arith.addi %mul3A_0, %arg1 : i32
    %mul3A_1 = arith.constant 10000 : i32
    %mul3A_2 = arith.muli %add3A, %mul3A_1 : i32
    %mul3A_3 = arith.constant 640 : i32
    %mul3A_4 = arith.muli %arg1, %mul3A_3 : i32
    "tpu.region"() ({
      %run_scoped3A = tpu.sem_alloc : memref<!tpu.dma_semaphore, #tpu.memory_space<semaphore_mem>>
      tpu.enqueue_dma source(%arg2 : memref<10000xf32, #tpu.memory_space<hbm>>) target(%arg17 : memref<10000xf32, #tpu.memory_space<vmem>>) target_semaphore(%run_scoped3A : memref<!tpu.dma_semaphore, #tpu.memory_space<semaphore_mem>>)
      tpu.wait_dma2 semaphore(%run_scoped3A : memref<!tpu.dma_semaphore, #tpu.memory_space<semaphore_mem>>) src(%arg2 : memref<10000xf32, #tpu.memory_space<hbm>>) dst(%arg17 : memref<10000xf32, #tpu.memory_space<vmem>>)
      tpu.yield
    }) : () -> ()
    "tpu.region"() ({
      %run_scoped3A = tpu.sem_alloc : memref<!tpu.dma_semaphore, #tpu.memory_space<semaphore_mem>>
      tpu.enqueue_dma source(%arg3 : memref<10000xf32, #tpu.memory_space<hbm>>) target(%arg18 : memref<10000xf32, #tpu.memory_space<vmem>>) target_semaphore(%run_scoped3A : memref<!tpu.dma_semaphore, #tpu.memory_space<semaphore_mem>>)
      tpu.wait_dma2 semaphore(%run_scoped3A : memref<!tpu.dma_semaphore, #tpu.memory_space<semaphore_mem>>) src(%arg3 : memref<10000xf32, #tpu.memory_space<hbm>>) dst(%arg18 : memref<10000xf32, #tpu.memory_space<vmem>>)
      tpu.yield
    }) : () -> ()
    "tpu.region"() ({
      %run_scoped3A = tpu.sem_alloc : memref<!tpu.dma_semaphore, #tpu.memory_space<semaphore_mem>>
      tpu.enqueue_dma source(%arg4 : memref<10000xf32, #tpu.memory_space<hbm>>) target(%arg19 : memref<10000xf32, #tpu.memory_space<vmem>>) target_semaphore(%run_scoped3A : memref<!tpu.dma_semaphore, #tpu.memory_space<semaphore_mem>>)
      tpu.wait_dma2 semaphore(%run_scoped3A : memref<!tpu.dma_semaphore, #tpu.memory_space<semaphore_mem>>) src(%arg4 : memref<10000xf32, #tpu.memory_space<hbm>>) dst(%arg19 : memref<10000xf32, #tpu.memory_space<vmem>>)
      tpu.yield
    }) : () -> ()
    "tpu.region"() ({
      %run_scoped3A = tpu.sem_alloc : memref<!tpu.dma_semaphore, #tpu.memory_space<semaphore_mem>>
      tpu.enqueue_dma source(%arg5 : memref<10000xf32, #tpu.memory_space<hbm>>) target(%arg20 : memref<10000xf32, #tpu.memory_space<vmem>>) target_semaphore(%run_scoped3A : memref<!tpu.dma_semaphore, #tpu.memory_space<semaphore_mem>>)
      tpu.wait_dma2 semaphore(%run_scoped3A : memref<!tpu.dma_semaphore, #tpu.memory_space<semaphore_mem>>) src(%arg5 : memref<10000xf32, #tpu.memory_space<hbm>>) dst(%arg20 : memref<10000xf32, #tpu.memory_space<vmem>>)
      tpu.yield
    }) : () -> ()
    "tpu.region"() ({
      %run_scoped3A = tpu.sem_alloc : memref<!tpu.dma_semaphore, #tpu.memory_space<semaphore_mem>>
      tpu.enqueue_dma source(%arg6 : memref<10000xf32, #tpu.memory_space<hbm>>) target(%arg21 : memref<10000xf32, #tpu.memory_space<vmem>>) target_semaphore(%run_scoped3A : memref<!tpu.dma_semaphore, #tpu.memory_space<semaphore_mem>>)
      tpu.wait_dma2 semaphore(%run_scoped3A : memref<!tpu.dma_semaphore, #tpu.memory_space<semaphore_mem>>) src(%arg6 : memref<10000xf32, #tpu.memory_space<hbm>>) dst(%arg21 : memref<10000xf32, #tpu.memory_space<vmem>>)
      tpu.yield
    }) : () -> ()
    "tpu.region"() ({
      %run_scoped3A = tpu.sem_alloc : memref<!tpu.dma_semaphore, #tpu.memory_space<semaphore_mem>>
      tpu.enqueue_dma source(%arg7 : memref<10000xf32, #tpu.memory_space<hbm>>) target(%arg22 : memref<10000xf32, #tpu.memory_space<vmem>>) target_semaphore(%run_scoped3A : memref<!tpu.dma_semaphore, #tpu.memory_space<semaphore_mem>>)
      tpu.wait_dma2 semaphore(%run_scoped3A : memref<!tpu.dma_semaphore, #tpu.memory_space<semaphore_mem>>) src(%arg7 : memref<10000xf32, #tpu.memory_space<hbm>>) dst(%arg22 : memref<10000xf32, #tpu.memory_space<vmem>>)
      tpu.yield
    }) : () -> ()
    "tpu.region"() ({
      %run_scoped3A = tpu.sem_alloc : memref<!tpu.dma_semaphore, #tpu.memory_space<semaphore_mem>>
      %dma_start3A = tpu.memref_slice %arg31[%mul3A_4] : memref<10240xf32, #tpu.memory_space<vmem_shared>> -> memref<640xf32, #tpu.memory_space<vmem_shared>>
      tpu.enqueue_dma source(%arg11 : memref<640xf32, #tpu.memory_space<hbm>>) target(%dma_start3A : memref<640xf32, #tpu.memory_space<vmem_shared>>) target_semaphore(%run_scoped3A : memref<!tpu.dma_semaphore, #tpu.memory_space<semaphore_mem>>)
      %dma_wait3A = tpu.memref_slice %arg31[%mul3A_4] : memref<10240xf32, #tpu.memory_space<vmem_shared>> -> memref<640xf32, #tpu.memory_space<vmem_shared>>
      tpu.wait_dma2 semaphore(%run_scoped3A : memref<!tpu.dma_semaphore, #tpu.memory_space<semaphore_mem>>) src(%arg11 : memref<640xf32, #tpu.memory_space<hbm>>) dst(%dma_wait3A : memref<640xf32, #tpu.memory_space<vmem_shared>>)
      tpu.yield
    }) : () -> ()
    "tpu.region"() ({
      %run_scoped3A = tpu.sem_alloc : memref<!tpu.dma_semaphore, #tpu.memory_space<semaphore_mem>>
      tpu.enqueue_dma source(%arg12 : memref<125xf32, #tpu.memory_space<hbm>>) target(%arg29 : memref<125xf32, #tpu.memory_space<vmem>>) target_semaphore(%run_scoped3A : memref<!tpu.dma_semaphore, #tpu.memory_space<semaphore_mem>>)
      tpu.wait_dma2 semaphore(%run_scoped3A : memref<!tpu.dma_semaphore, #tpu.memory_space<semaphore_mem>>) src(%arg12 : memref<125xf32, #tpu.memory_space<hbm>>) dst(%arg29 : memref<125xf32, #tpu.memory_space<vmem>>)
      tpu.yield
    }) : () -> ()
    %barrier3A = arith.constant 0 : index
    tpu.barrier barrier_id(%barrier3A)
    %scan3A = arith.constant 0 : i32
    %scan3A_5 = arith.constant 0 : i32
    %scan3A_6 = arith.constant 5 : i32
    %scan3A_7 = arith.addi %scan3A_5, %scan3A_6 : i32
    %scan3A_8 = arith.constant 1 : i32
    %scan3A_9 = scf.for %scan3A_12 = %scan3A_5 to %scan3A_7 step %scan3A_8 iter_args(%scan3A_13 = %scan3A) -> (i32)  : i32 {
      %mul3A_14 = arith.constant 2000 : i32
      %mul3A_15 = arith.muli %scan3A_12, %mul3A_14 : i32
      %add3A_16 = arith.addi %mul3A_2, %mul3A_15 : i32
      "tpu.region"() ({
        %run_scoped3A = tpu.sem_alloc : memref<!tpu.dma_semaphore, #tpu.memory_space<semaphore_mem>>
        %dma_start3A_231 = tpu.memref_slice %arg8[%add3A_16] : memref<320000xi32, #tpu.memory_space<hbm>> -> memref<2000xi32, #tpu.memory_space<hbm>>
        %dma_start3A_232 = tpu.memref_slice %arg8[%add3A_16] : memref<320000xi32, #tpu.memory_space<hbm>> -> memref<2000xi32, #tpu.memory_space<hbm>>
        tpu.enqueue_dma source(%dma_start3A_232 : memref<2000xi32, #tpu.memory_space<hbm>>) target(%arg23 : memref<2000xi32, #tpu.memory_space<vmem>>) target_semaphore(%run_scoped3A : memref<!tpu.dma_semaphore, #tpu.memory_space<semaphore_mem>>)
        %dma_wait3A_233 = tpu.memref_slice %arg8[%add3A_16] : memref<320000xi32, #tpu.memory_space<hbm>> -> memref<2000xi32, #tpu.memory_space<hbm>>
        %dma_wait3A_234 = tpu.memref_slice %arg8[%add3A_16] : memref<320000xi32, #tpu.memory_space<hbm>> -> memref<2000xi32, #tpu.memory_space<hbm>>
        tpu.wait_dma2 semaphore(%run_scoped3A : memref<!tpu.dma_semaphore, #tpu.memory_space<semaphore_mem>>) src(%dma_wait3A_234 : memref<2000xi32, #tpu.memory_space<hbm>>) dst(%arg23 : memref<2000xi32, #tpu.memory_space<vmem>>)
        tpu.yield
      }) : () -> ()
      "tpu.region"() ({
        %run_scoped3A = tpu.sem_alloc : memref<!tpu.dma_semaphore, #tpu.memory_space<semaphore_mem>>
        %dma_start3A_231 = tpu.memref_slice %arg9[%add3A_16] : memref<320000xi32, #tpu.memory_space<hbm>> -> memref<2000xi32, #tpu.memory_space<hbm>>
        %dma_start3A_232 = tpu.memref_slice %arg9[%add3A_16] : memref<320000xi32, #tpu.memory_space<hbm>> -> memref<2000xi32, #tpu.memory_space<hbm>>
        tpu.enqueue_dma source(%dma_start3A_232 : memref<2000xi32, #tpu.memory_space<hbm>>) target(%arg24 : memref<2000xi32, #tpu.memory_space<vmem>>) target_semaphore(%run_scoped3A : memref<!tpu.dma_semaphore, #tpu.memory_space<semaphore_mem>>)
        %dma_wait3A_233 = tpu.memref_slice %arg9[%add3A_16] : memref<320000xi32, #tpu.memory_space<hbm>> -> memref<2000xi32, #tpu.memory_space<hbm>>
        %dma_wait3A_234 = tpu.memref_slice %arg9[%add3A_16] : memref<320000xi32, #tpu.memory_space<hbm>> -> memref<2000xi32, #tpu.memory_space<hbm>>
        tpu.wait_dma2 semaphore(%run_scoped3A : memref<!tpu.dma_semaphore, #tpu.memory_space<semaphore_mem>>) src(%dma_wait3A_234 : memref<2000xi32, #tpu.memory_space<hbm>>) dst(%arg24 : memref<2000xi32, #tpu.memory_space<vmem>>)
        tpu.yield
      }) : () -> ()
      %jit3A = arith.constant 125 : i32
      %div3A = arith.divsi %add3A_16, %jit3A : i32
      %sign3A = arith.constant 0 : i32
      %sign3A_17 = arith.cmpi sgt, %add3A_16, %sign3A : i32
      %sign3A_18 = arith.extui %sign3A_17 : i1 to i32
      %sign3A_19 = arith.constant 0 : i32
      %sign3A_20 = arith.cmpi slt, %add3A_16, %sign3A_19 : i32
      %sign3A_21 = arith.extui %sign3A_20 : i1 to i32
      %sign3A_22 = arith.subi %sign3A_18, %sign3A_21 : i32
      %sign3A_23 = arith.constant 0 : i32
      %sign3A_24 = arith.cmpi sgt, %jit3A, %sign3A_23 : i32
      %sign3A_25 = arith.extui %sign3A_24 : i1 to i32
      %sign3A_26 = arith.constant 0 : i32
      %sign3A_27 = arith.cmpi slt, %jit3A, %sign3A_26 : i32
      %sign3A_28 = arith.extui %sign3A_27 : i1 to i32
      %sign3A_29 = arith.subi %sign3A_25, %sign3A_28 : i32
      %ne3A = arith.cmpi ne, %sign3A_22, %sign3A_29 : i32
      %rem3A = arith.remsi %add3A_16, %jit3A : i32
      %ne3A_30 = arith.constant 0 : i32
      %ne3A_31 = arith.cmpi ne, %rem3A, %ne3A_30 : i32
      %and3A = arith.andi %ne3A, %ne3A_31 : i1
      %sub3A = arith.constant 1 : i32
      %sub3A_32 = arith.subi %div3A, %sub3A : i32
      %select_n3A = arith.select %and3A, %sub3A_32, %div3A : i32
      %multiple_of3A = tpu.assume_multiple %select_n3A, 8 : i32
      "tpu.region"() ({
        %run_scoped3A = tpu.sem_alloc : memref<!tpu.dma_semaphore, #tpu.memory_space<semaphore_mem>>
        %dma_start3A_231 = arith.constant 0 : i32
        %dma_start3A_232 = tpu.memref_slice %arg10[%multiple_of3A, %dma_start3A_231] : memref<2560x125xi32, #tpu.memory_space<hbm>> -> memref<16x125xi32, #tpu.memory_space<hbm>>
        %dma_start3A_233 = arith.constant 0 : i32
        %dma_start3A_234 = tpu.memref_slice %arg10[%multiple_of3A, %dma_start3A_233] : memref<2560x125xi32, #tpu.memory_space<hbm>> -> memref<16x125xi32, #tpu.memory_space<hbm>>
        tpu.enqueue_dma source(%dma_start3A_234 : memref<16x125xi32, #tpu.memory_space<hbm>>) target(%arg28 : memref<16x125xi32, #tpu.memory_space<vmem>>) target_semaphore(%run_scoped3A : memref<!tpu.dma_semaphore, #tpu.memory_space<semaphore_mem>>)
        %dma_wait3A_235 = arith.constant 0 : i32
        %dma_wait3A_236 = tpu.memref_slice %arg10[%multiple_of3A, %dma_wait3A_235] : memref<2560x125xi32, #tpu.memory_space<hbm>> -> memref<16x125xi32, #tpu.memory_space<hbm>>
        %dma_wait3A_237 = arith.constant 0 : i32
        %dma_wait3A_238 = tpu.memref_slice %arg10[%multiple_of3A, %dma_wait3A_237] : memref<2560x125xi32, #tpu.memory_space<hbm>> -> memref<16x125xi32, #tpu.memory_space<hbm>>
        tpu.wait_dma2 semaphore(%run_scoped3A : memref<!tpu.dma_semaphore, #tpu.memory_space<semaphore_mem>>) src(%dma_wait3A_238 : memref<16x125xi32, #tpu.memory_space<hbm>>) dst(%arg28 : memref<16x125xi32, #tpu.memory_space<vmem>>)
        tpu.yield
      }) : () -> ()
      %dma_start3A = arith.constant 0 : i32
      %dma_start3A_33 = arith.constant 0 : i32
      %dma_start3A_34 = tpu.memref_slice %arg28[%dma_start3A, %dma_start3A_33] : memref<16x125xi32, #tpu.memory_space<vmem>> -> memref<1x125xi32, #tpu.memory_space<vmem>>
      %dma_start3A_35 = tpu.memref_squeeze %dma_start3A_34 : memref<1x125xi32, #tpu.memory_space<vmem>> -> memref<125xi32, #tpu.memory_space<vmem>>
      %dma_start3A_36 = arith.constant 0 : i32
      %dma_start3A_37 = tpu.memref_slice %arg31[%dma_start3A_36] : memref<10240xf32, #tpu.memory_space<vmem_shared>> -> memref<10240xf32, #tpu.memory_space<vmem_shared>>
      tpu.enqueue_indirect_dma source(%arg29 : memref<125xf32, #tpu.memory_space<vmem>>) target(%dma_start3A_37 : memref<10240xf32, #tpu.memory_space<vmem_shared>>) offsets(%dma_start3A_35 : memref<125xi32, #tpu.memory_space<vmem>>) semaphore(%arg30 : memref<!tpu.dma_semaphore, #tpu.memory_space<semaphore_mem>>) {add = true}
      %dma_start3A_38 = arith.constant 1 : i32
      %dma_start3A_39 = arith.constant 0 : i32
      %dma_start3A_40 = tpu.memref_slice %arg28[%dma_start3A_38, %dma_start3A_39] : memref<16x125xi32, #tpu.memory_space<vmem>> -> memref<1x125xi32, #tpu.memory_space<vmem>>
      %dma_start3A_41 = tpu.memref_squeeze %dma_start3A_40 : memref<1x125xi32, #tpu.memory_space<vmem>> -> memref<125xi32, #tpu.memory_space<vmem>>
      %dma_start3A_42 = arith.constant 0 : i32
      %dma_start3A_43 = tpu.memref_slice %arg31[%dma_start3A_42] : memref<10240xf32, #tpu.memory_space<vmem_shared>> -> memref<10240xf32, #tpu.memory_space<vmem_shared>>
      tpu.enqueue_indirect_dma source(%arg29 : memref<125xf32, #tpu.memory_space<vmem>>) target(%dma_start3A_43 : memref<10240xf32, #tpu.memory_space<vmem_shared>>) offsets(%dma_start3A_41 : memref<125xi32, #tpu.memory_space<vmem>>) semaphore(%arg30 : memref<!tpu.dma_semaphore, #tpu.memory_space<semaphore_mem>>) {add = true}
      %dma_start3A_44 = arith.constant 2 : i32
      %dma_start3A_45 = arith.constant 0 : i32
      %dma_start3A_46 = tpu.memref_slice %arg28[%dma_start3A_44, %dma_start3A_45] : memref<16x125xi32, #tpu.memory_space<vmem>> -> memref<1x125xi32, #tpu.memory_space<vmem>>
      %dma_start3A_47 = tpu.memref_squeeze %dma_start3A_46 : memref<1x125xi32, #tpu.memory_space<vmem>> -> memref<125xi32, #tpu.memory_space<vmem>>
      %dma_start3A_48 = arith.constant 0 : i32
      %dma_start3A_49 = tpu.memref_slice %arg31[%dma_start3A_48] : memref<10240xf32, #tpu.memory_space<vmem_shared>> -> memref<10240xf32, #tpu.memory_space<vmem_shared>>
      tpu.enqueue_indirect_dma source(%arg29 : memref<125xf32, #tpu.memory_space<vmem>>) target(%dma_start3A_49 : memref<10240xf32, #tpu.memory_space<vmem_shared>>) offsets(%dma_start3A_47 : memref<125xi32, #tpu.memory_space<vmem>>) semaphore(%arg30 : memref<!tpu.dma_semaphore, #tpu.memory_space<semaphore_mem>>) {add = true}
      %dma_start3A_50 = arith.constant 3 : i32
      %dma_start3A_51 = arith.constant 0 : i32
      %dma_start3A_52 = tpu.memref_slice %arg28[%dma_start3A_50, %dma_start3A_51] : memref<16x125xi32, #tpu.memory_space<vmem>> -> memref<1x125xi32, #tpu.memory_space<vmem>>
      %dma_start3A_53 = tpu.memref_squeeze %dma_start3A_52 : memref<1x125xi32, #tpu.memory_space<vmem>> -> memref<125xi32, #tpu.memory_space<vmem>>
      %dma_start3A_54 = arith.constant 0 : i32
      %dma_start3A_55 = tpu.memref_slice %arg31[%dma_start3A_54] : memref<10240xf32, #tpu.memory_space<vmem_shared>> -> memref<10240xf32, #tpu.memory_space<vmem_shared>>
      tpu.enqueue_indirect_dma source(%arg29 : memref<125xf32, #tpu.memory_space<vmem>>) target(%dma_start3A_55 : memref<10240xf32, #tpu.memory_space<vmem_shared>>) offsets(%dma_start3A_53 : memref<125xi32, #tpu.memory_space<vmem>>) semaphore(%arg30 : memref<!tpu.dma_semaphore, #tpu.memory_space<semaphore_mem>>) {add = true}
      %dma_start3A_56 = arith.constant 4 : i32
      %dma_start3A_57 = arith.constant 0 : i32
      %dma_start3A_58 = tpu.memref_slice %arg28[%dma_start3A_56, %dma_start3A_57] : memref<16x125xi32, #tpu.memory_space<vmem>> -> memref<1x125xi32, #tpu.memory_space<vmem>>
      %dma_start3A_59 = tpu.memref_squeeze %dma_start3A_58 : memref<1x125xi32, #tpu.memory_space<vmem>> -> memref<125xi32, #tpu.memory_space<vmem>>
      %dma_start3A_60 = arith.constant 0 : i32
      %dma_start3A_61 = tpu.memref_slice %arg31[%dma_start3A_60] : memref<10240xf32, #tpu.memory_space<vmem_shared>> -> memref<10240xf32, #tpu.memory_space<vmem_shared>>
      tpu.enqueue_indirect_dma source(%arg29 : memref<125xf32, #tpu.memory_space<vmem>>) target(%dma_start3A_61 : memref<10240xf32, #tpu.memory_space<vmem_shared>>) offsets(%dma_start3A_59 : memref<125xi32, #tpu.memory_space<vmem>>) semaphore(%arg30 : memref<!tpu.dma_semaphore, #tpu.memory_space<semaphore_mem>>) {add = true}
      %dma_start3A_62 = arith.constant 5 : i32
      %dma_start3A_63 = arith.constant 0 : i32
      %dma_start3A_64 = tpu.memref_slice %arg28[%dma_start3A_62, %dma_start3A_63] : memref<16x125xi32, #tpu.memory_space<vmem>> -> memref<1x125xi32, #tpu.memory_space<vmem>>
      %dma_start3A_65 = tpu.memref_squeeze %dma_start3A_64 : memref<1x125xi32, #tpu.memory_space<vmem>> -> memref<125xi32, #tpu.memory_space<vmem>>
      %dma_start3A_66 = arith.constant 0 : i32
      %dma_start3A_67 = tpu.memref_slice %arg31[%dma_start3A_66] : memref<10240xf32, #tpu.memory_space<vmem_shared>> -> memref<10240xf32, #tpu.memory_space<vmem_shared>>
      tpu.enqueue_indirect_dma source(%arg29 : memref<125xf32, #tpu.memory_space<vmem>>) target(%dma_start3A_67 : memref<10240xf32, #tpu.memory_space<vmem_shared>>) offsets(%dma_start3A_65 : memref<125xi32, #tpu.memory_space<vmem>>) semaphore(%arg30 : memref<!tpu.dma_semaphore, #tpu.memory_space<semaphore_mem>>) {add = true}
      %dma_start3A_68 = arith.constant 6 : i32
      %dma_start3A_69 = arith.constant 0 : i32
      %dma_start3A_70 = tpu.memref_slice %arg28[%dma_start3A_68, %dma_start3A_69] : memref<16x125xi32, #tpu.memory_space<vmem>> -> memref<1x125xi32, #tpu.memory_space<vmem>>
      %dma_start3A_71 = tpu.memref_squeeze %dma_start3A_70 : memref<1x125xi32, #tpu.memory_space<vmem>> -> memref<125xi32, #tpu.memory_space<vmem>>
      %dma_start3A_72 = arith.constant 0 : i32
      %dma_start3A_73 = tpu.memref_slice %arg31[%dma_start3A_72] : memref<10240xf32, #tpu.memory_space<vmem_shared>> -> memref<10240xf32, #tpu.memory_space<vmem_shared>>
      tpu.enqueue_indirect_dma source(%arg29 : memref<125xf32, #tpu.memory_space<vmem>>) target(%dma_start3A_73 : memref<10240xf32, #tpu.memory_space<vmem_shared>>) offsets(%dma_start3A_71 : memref<125xi32, #tpu.memory_space<vmem>>) semaphore(%arg30 : memref<!tpu.dma_semaphore, #tpu.memory_space<semaphore_mem>>) {add = true}
      %dma_start3A_74 = arith.constant 7 : i32
      %dma_start3A_75 = arith.constant 0 : i32
      %dma_start3A_76 = tpu.memref_slice %arg28[%dma_start3A_74, %dma_start3A_75] : memref<16x125xi32, #tpu.memory_space<vmem>> -> memref<1x125xi32, #tpu.memory_space<vmem>>
      %dma_start3A_77 = tpu.memref_squeeze %dma_start3A_76 : memref<1x125xi32, #tpu.memory_space<vmem>> -> memref<125xi32, #tpu.memory_space<vmem>>
      %dma_start3A_78 = arith.constant 0 : i32
      %dma_start3A_79 = tpu.memref_slice %arg31[%dma_start3A_78] : memref<10240xf32, #tpu.memory_space<vmem_shared>> -> memref<10240xf32, #tpu.memory_space<vmem_shared>>
      tpu.enqueue_indirect_dma source(%arg29 : memref<125xf32, #tpu.memory_space<vmem>>) target(%dma_start3A_79 : memref<10240xf32, #tpu.memory_space<vmem_shared>>) offsets(%dma_start3A_77 : memref<125xi32, #tpu.memory_space<vmem>>) semaphore(%arg30 : memref<!tpu.dma_semaphore, #tpu.memory_space<semaphore_mem>>) {add = true}
      %dma_start3A_80 = arith.constant 8 : i32
      %dma_start3A_81 = arith.constant 0 : i32
      %dma_start3A_82 = tpu.memref_slice %arg28[%dma_start3A_80, %dma_start3A_81] : memref<16x125xi32, #tpu.memory_space<vmem>> -> memref<1x125xi32, #tpu.memory_space<vmem>>
      %dma_start3A_83 = tpu.memref_squeeze %dma_start3A_82 : memref<1x125xi32, #tpu.memory_space<vmem>> -> memref<125xi32, #tpu.memory_space<vmem>>
      %dma_start3A_84 = arith.constant 0 : i32
      %dma_start3A_85 = tpu.memref_slice %arg31[%dma_start3A_84] : memref<10240xf32, #tpu.memory_space<vmem_shared>> -> memref<10240xf32, #tpu.memory_space<vmem_shared>>
      tpu.enqueue_indirect_dma source(%arg29 : memref<125xf32, #tpu.memory_space<vmem>>) target(%dma_start3A_85 : memref<10240xf32, #tpu.memory_space<vmem_shared>>) offsets(%dma_start3A_83 : memref<125xi32, #tpu.memory_space<vmem>>) semaphore(%arg30 : memref<!tpu.dma_semaphore, #tpu.memory_space<semaphore_mem>>) {add = true}
      %dma_start3A_86 = arith.constant 9 : i32
      %dma_start3A_87 = arith.constant 0 : i32
      %dma_start3A_88 = tpu.memref_slice %arg28[%dma_start3A_86, %dma_start3A_87] : memref<16x125xi32, #tpu.memory_space<vmem>> -> memref<1x125xi32, #tpu.memory_space<vmem>>
      %dma_start3A_89 = tpu.memref_squeeze %dma_start3A_88 : memref<1x125xi32, #tpu.memory_space<vmem>> -> memref<125xi32, #tpu.memory_space<vmem>>
      %dma_start3A_90 = arith.constant 0 : i32
      %dma_start3A_91 = tpu.memref_slice %arg31[%dma_start3A_90] : memref<10240xf32, #tpu.memory_space<vmem_shared>> -> memref<10240xf32, #tpu.memory_space<vmem_shared>>
      tpu.enqueue_indirect_dma source(%arg29 : memref<125xf32, #tpu.memory_space<vmem>>) target(%dma_start3A_91 : memref<10240xf32, #tpu.memory_space<vmem_shared>>) offsets(%dma_start3A_89 : memref<125xi32, #tpu.memory_space<vmem>>) semaphore(%arg30 : memref<!tpu.dma_semaphore, #tpu.memory_space<semaphore_mem>>) {add = true}
      %dma_start3A_92 = arith.constant 10 : i32
      %dma_start3A_93 = arith.constant 0 : i32
      %dma_start3A_94 = tpu.memref_slice %arg28[%dma_start3A_92, %dma_start3A_93] : memref<16x125xi32, #tpu.memory_space<vmem>> -> memref<1x125xi32, #tpu.memory_space<vmem>>
      %dma_start3A_95 = tpu.memref_squeeze %dma_start3A_94 : memref<1x125xi32, #tpu.memory_space<vmem>> -> memref<125xi32, #tpu.memory_space<vmem>>
      %dma_start3A_96 = arith.constant 0 : i32
      %dma_start3A_97 = tpu.memref_slice %arg31[%dma_start3A_96] : memref<10240xf32, #tpu.memory_space<vmem_shared>> -> memref<10240xf32, #tpu.memory_space<vmem_shared>>
      tpu.enqueue_indirect_dma source(%arg29 : memref<125xf32, #tpu.memory_space<vmem>>) target(%dma_start3A_97 : memref<10240xf32, #tpu.memory_space<vmem_shared>>) offsets(%dma_start3A_95 : memref<125xi32, #tpu.memory_space<vmem>>) semaphore(%arg30 : memref<!tpu.dma_semaphore, #tpu.memory_space<semaphore_mem>>) {add = true}
      %dma_start3A_98 = arith.constant 11 : i32
      %dma_start3A_99 = arith.constant 0 : i32
      %dma_start3A_100 = tpu.memref_slice %arg28[%dma_start3A_98, %dma_start3A_99] : memref<16x125xi32, #tpu.memory_space<vmem>> -> memref<1x125xi32, #tpu.memory_space<vmem>>
      %dma_start3A_101 = tpu.memref_squeeze %dma_start3A_100 : memref<1x125xi32, #tpu.memory_space<vmem>> -> memref<125xi32, #tpu.memory_space<vmem>>
      %dma_start3A_102 = arith.constant 0 : i32
      %dma_start3A_103 = tpu.memref_slice %arg31[%dma_start3A_102] : memref<10240xf32, #tpu.memory_space<vmem_shared>> -> memref<10240xf32, #tpu.memory_space<vmem_shared>>
      tpu.enqueue_indirect_dma source(%arg29 : memref<125xf32, #tpu.memory_space<vmem>>) target(%dma_start3A_103 : memref<10240xf32, #tpu.memory_space<vmem_shared>>) offsets(%dma_start3A_101 : memref<125xi32, #tpu.memory_space<vmem>>) semaphore(%arg30 : memref<!tpu.dma_semaphore, #tpu.memory_space<semaphore_mem>>) {add = true}
      %dma_start3A_104 = arith.constant 12 : i32
      %dma_start3A_105 = arith.constant 0 : i32
      %dma_start3A_106 = tpu.memref_slice %arg28[%dma_start3A_104, %dma_start3A_105] : memref<16x125xi32, #tpu.memory_space<vmem>> -> memref<1x125xi32, #tpu.memory_space<vmem>>
      %dma_start3A_107 = tpu.memref_squeeze %dma_start3A_106 : memref<1x125xi32, #tpu.memory_space<vmem>> -> memref<125xi32, #tpu.memory_space<vmem>>
      %dma_start3A_108 = arith.constant 0 : i32
      %dma_start3A_109 = tpu.memref_slice %arg31[%dma_start3A_108] : memref<10240xf32, #tpu.memory_space<vmem_shared>> -> memref<10240xf32, #tpu.memory_space<vmem_shared>>
      tpu.enqueue_indirect_dma source(%arg29 : memref<125xf32, #tpu.memory_space<vmem>>) target(%dma_start3A_109 : memref<10240xf32, #tpu.memory_space<vmem_shared>>) offsets(%dma_start3A_107 : memref<125xi32, #tpu.memory_space<vmem>>) semaphore(%arg30 : memref<!tpu.dma_semaphore, #tpu.memory_space<semaphore_mem>>) {add = true}
      %dma_start3A_110 = arith.constant 13 : i32
      %dma_start3A_111 = arith.constant 0 : i32
      %dma_start3A_112 = tpu.memref_slice %arg28[%dma_start3A_110, %dma_start3A_111] : memref<16x125xi32, #tpu.memory_space<vmem>> -> memref<1x125xi32, #tpu.memory_space<vmem>>
      %dma_start3A_113 = tpu.memref_squeeze %dma_start3A_112 : memref<1x125xi32, #tpu.memory_space<vmem>> -> memref<125xi32, #tpu.memory_space<vmem>>
      %dma_start3A_114 = arith.constant 0 : i32
      %dma_start3A_115 = tpu.memref_slice %arg31[%dma_start3A_114] : memref<10240xf32, #tpu.memory_space<vmem_shared>> -> memref<10240xf32, #tpu.memory_space<vmem_shared>>
      tpu.enqueue_indirect_dma source(%arg29 : memref<125xf32, #tpu.memory_space<vmem>>) target(%dma_start3A_115 : memref<10240xf32, #tpu.memory_space<vmem_shared>>) offsets(%dma_start3A_113 : memref<125xi32, #tpu.memory_space<vmem>>) semaphore(%arg30 : memref<!tpu.dma_semaphore, #tpu.memory_space<semaphore_mem>>) {add = true}
      %dma_start3A_116 = arith.constant 14 : i32
      %dma_start3A_117 = arith.constant 0 : i32
      %dma_start3A_118 = tpu.memref_slice %arg28[%dma_start3A_116, %dma_start3A_117] : memref<16x125xi32, #tpu.memory_space<vmem>> -> memref<1x125xi32, #tpu.memory_space<vmem>>
      %dma_start3A_119 = tpu.memref_squeeze %dma_start3A_118 : memref<1x125xi32, #tpu.memory_space<vmem>> -> memref<125xi32, #tpu.memory_space<vmem>>
      %dma_start3A_120 = arith.constant 0 : i32
      %dma_start3A_121 = tpu.memref_slice %arg31[%dma_start3A_120] : memref<10240xf32, #tpu.memory_space<vmem_shared>> -> memref<10240xf32, #tpu.memory_space<vmem_shared>>
      tpu.enqueue_indirect_dma source(%arg29 : memref<125xf32, #tpu.memory_space<vmem>>) target(%dma_start3A_121 : memref<10240xf32, #tpu.memory_space<vmem_shared>>) offsets(%dma_start3A_119 : memref<125xi32, #tpu.memory_space<vmem>>) semaphore(%arg30 : memref<!tpu.dma_semaphore, #tpu.memory_space<semaphore_mem>>) {add = true}
      %dma_start3A_122 = arith.constant 15 : i32
      %dma_start3A_123 = arith.constant 0 : i32
      %dma_start3A_124 = tpu.memref_slice %arg28[%dma_start3A_122, %dma_start3A_123] : memref<16x125xi32, #tpu.memory_space<vmem>> -> memref<1x125xi32, #tpu.memory_space<vmem>>
      %dma_start3A_125 = tpu.memref_squeeze %dma_start3A_124 : memref<1x125xi32, #tpu.memory_space<vmem>> -> memref<125xi32, #tpu.memory_space<vmem>>
      %dma_start3A_126 = arith.constant 0 : i32
      %dma_start3A_127 = tpu.memref_slice %arg31[%dma_start3A_126] : memref<10240xf32, #tpu.memory_space<vmem_shared>> -> memref<10240xf32, #tpu.memory_space<vmem_shared>>
      tpu.enqueue_indirect_dma source(%arg29 : memref<125xf32, #tpu.memory_space<vmem>>) target(%dma_start3A_127 : memref<10240xf32, #tpu.memory_space<vmem_shared>>) offsets(%dma_start3A_125 : memref<125xi32, #tpu.memory_space<vmem>>) semaphore(%arg30 : memref<!tpu.dma_semaphore, #tpu.memory_space<semaphore_mem>>) {add = true}
      %scan3A_128 = arith.constant 0 : i32
      %scan3A_129 = arith.constant 0 : i32
      %scan3A_130 = arith.constant 125 : i32
      %scan3A_131 = arith.addi %scan3A_129, %scan3A_130 : i32
      %scan3A_132 = arith.constant 1 : i32
      %scan3A_133 = scf.for %scan3A_231 = %scan3A_129 to %scan3A_131 step %scan3A_132 iter_args(%scan3A_232 = %scan3A_128) -> (i32)  : i32 {
        %mul3A_233 = arith.constant 16 : i32
        %mul3A_234 = arith.muli %scan3A_231, %mul3A_233 : i32
        %get3A = arith.index_cast %mul3A_234 : i32 to index
        %get3A_235 = tpu.vector_load %arg23[%get3A] {strides = array<i32>} : memref<2000xi32, #tpu.memory_space<vmem>>, vector<16xi32>,
        %get3A_236 = arith.index_cast %mul3A_234 : i32 to index
        %get3A_237 = tpu.vector_load %arg24[%get3A_236] {strides = array<i32>} : memref<2000xi32, #tpu.memory_space<vmem>>, vector<16xi32>,
        %gather3A = tpu.vector_load_idx %arg17[%get3A_235] : memref<10000xf32, #tpu.memory_space<vmem>>[vector<16xi32>], vector<16xf32>,
        %gather3A_238 = tpu.vector_load_idx %arg20[%get3A_237] : memref<10000xf32, #tpu.memory_space<vmem>>[vector<16xi32>], vector<16xf32>,
        %sub3A_239 = arith.subf %gather3A, %gather3A_238 : vector<16xf32>
        %mul3A_240 = arith.constant 0.545836389 : f32
        %mul3A_241 = vector.broadcast %mul3A_240 : f32 to vector<16xf32>
        %mul3A_242 = arith.mulf %sub3A_239, %mul3A_241 : vector<16xf32>
        %swap3A = arith.index_cast %mul3A_234 : i32 to index
        %swap3A_243 = tpu.vector_load %arg25[%swap3A] {strides = array<i32>} : memref<2000xf32, #tpu.memory_space<vmem>>, vector<16xf32>,
        tpu.vector_store %arg25[%swap3A], %mul3A_242 {strides = array<i32>} : memref<2000xf32, #tpu.memory_space<vmem>>, vector<16xf32>,
        %gather3A_244 = tpu.vector_load_idx %arg18[%get3A_235] : memref<10000xf32, #tpu.memory_space<vmem>>[vector<16xi32>], vector<16xf32>,
        %gather3A_245 = tpu.vector_load_idx %arg21[%get3A_237] : memref<10000xf32, #tpu.memory_space<vmem>>[vector<16xi32>], vector<16xf32>,
        %sub3A_246 = arith.subf %gather3A_244, %gather3A_245 : vector<16xf32>
        %mul3A_247 = arith.constant 0.545836389 : f32
        %mul3A_248 = vector.broadcast %mul3A_247 : f32 to vector<16xf32>
        %mul3A_249 = arith.mulf %sub3A_246, %mul3A_248 : vector<16xf32>
        %swap3A_250 = arith.index_cast %mul3A_234 : i32 to index
        %swap3A_251 = tpu.vector_load %arg26[%swap3A_250] {strides = array<i32>} : memref<2000xf32, #tpu.memory_space<vmem>>, vector<16xf32>,
        tpu.vector_store %arg26[%swap3A_250], %mul3A_249 {strides = array<i32>} : memref<2000xf32, #tpu.memory_space<vmem>>, vector<16xf32>,
        %gather3A_252 = tpu.vector_load_idx %arg19[%get3A_235] : memref<10000xf32, #tpu.memory_space<vmem>>[vector<16xi32>], vector<16xf32>,
        %gather3A_253 = tpu.vector_load_idx %arg22[%get3A_237] : memref<10000xf32, #tpu.memory_space<vmem>>[vector<16xi32>], vector<16xf32>,
        %sub3A_254 = arith.subf %gather3A_252, %gather3A_253 : vector<16xf32>
        %mul3A_255 = arith.constant 0.545836389 : f32
        %mul3A_256 = vector.broadcast %mul3A_255 : f32 to vector<16xf32>
        %mul3A_257 = arith.mulf %sub3A_254, %mul3A_256 : vector<16xf32>
        %swap3A_258 = arith.index_cast %mul3A_234 : i32 to index
        %swap3A_259 = tpu.vector_load %arg27[%swap3A_258] {strides = array<i32>} : memref<2000xf32, #tpu.memory_space<vmem>>, vector<16xf32>,
        tpu.vector_store %arg27[%swap3A_258], %mul3A_257 {strides = array<i32>} : memref<2000xf32, #tpu.memory_space<vmem>>, vector<16xf32>,
        %scan3A_260 = arith.constant 0 : i32
        scf.yield %scan3A_260 : i32
      }
      %scan3A_134 = arith.constant 125 : i32
      "tpu.region"() ({
        %run_scoped3A = tpu.sem_alloc : memref<!tpu.dma_semaphore, #tpu.memory_space<semaphore_mem>>
        %dma_start3A_231 = tpu.memref_slice %arg13[%add3A_16] : memref<320000xf32, #tpu.memory_space<hbm>> -> memref<2000xf32, #tpu.memory_space<hbm>>
        %dma_start3A_232 = tpu.memref_slice %arg13[%add3A_16] : memref<320000xf32, #tpu.memory_space<hbm>> -> memref<2000xf32, #tpu.memory_space<hbm>>
        tpu.enqueue_dma source(%arg25 : memref<2000xf32, #tpu.memory_space<vmem>>) target(%dma_start3A_232 : memref<2000xf32, #tpu.memory_space<hbm>>) target_semaphore(%run_scoped3A : memref<!tpu.dma_semaphore, #tpu.memory_space<semaphore_mem>>)
        %dma_wait3A_233 = tpu.memref_slice %arg13[%add3A_16] : memref<320000xf32, #tpu.memory_space<hbm>> -> memref<2000xf32, #tpu.memory_space<hbm>>
        %dma_wait3A_234 = tpu.memref_slice %arg13[%add3A_16] : memref<320000xf32, #tpu.memory_space<hbm>> -> memref<2000xf32, #tpu.memory_space<hbm>>
        tpu.wait_dma2 semaphore(%run_scoped3A : memref<!tpu.dma_semaphore, #tpu.memory_space<semaphore_mem>>) src(%arg25 : memref<2000xf32, #tpu.memory_space<vmem>>) dst(%dma_wait3A_234 : memref<2000xf32, #tpu.memory_space<hbm>>)
        tpu.yield
      }) : () -> ()
      "tpu.region"() ({
        %run_scoped3A = tpu.sem_alloc : memref<!tpu.dma_semaphore, #tpu.memory_space<semaphore_mem>>
        %dma_start3A_231 = tpu.memref_slice %arg14[%add3A_16] : memref<320000xf32, #tpu.memory_space<hbm>> -> memref<2000xf32, #tpu.memory_space<hbm>>
        %dma_start3A_232 = tpu.memref_slice %arg14[%add3A_16] : memref<320000xf32, #tpu.memory_space<hbm>> -> memref<2000xf32, #tpu.memory_space<hbm>>
        tpu.enqueue_dma source(%arg26 : memref<2000xf32, #tpu.memory_space<vmem>>) target(%dma_start3A_232 : memref<2000xf32, #tpu.memory_space<hbm>>) target_semaphore(%run_scoped3A : memref<!tpu.dma_semaphore, #tpu.memory_space<semaphore_mem>>)
        %dma_wait3A_233 = tpu.memref_slice %arg14[%add3A_16] : memref<320000xf32, #tpu.memory_space<hbm>> -> memref<2000xf32, #tpu.memory_space<hbm>>
        %dma_wait3A_234 = tpu.memref_slice %arg14[%add3A_16] : memref<320000xf32, #tpu.memory_space<hbm>> -> memref<2000xf32, #tpu.memory_space<hbm>>
        tpu.wait_dma2 semaphore(%run_scoped3A : memref<!tpu.dma_semaphore, #tpu.memory_space<semaphore_mem>>) src(%arg26 : memref<2000xf32, #tpu.memory_space<vmem>>) dst(%dma_wait3A_234 : memref<2000xf32, #tpu.memory_space<hbm>>)
        tpu.yield
      }) : () -> ()
      "tpu.region"() ({
        %run_scoped3A = tpu.sem_alloc : memref<!tpu.dma_semaphore, #tpu.memory_space<semaphore_mem>>
        %dma_start3A_231 = tpu.memref_slice %arg15[%add3A_16] : memref<320000xf32, #tpu.memory_space<hbm>> -> memref<2000xf32, #tpu.memory_space<hbm>>
        %dma_start3A_232 = tpu.memref_slice %arg15[%add3A_16] : memref<320000xf32, #tpu.memory_space<hbm>> -> memref<2000xf32, #tpu.memory_space<hbm>>
        tpu.enqueue_dma source(%arg27 : memref<2000xf32, #tpu.memory_space<vmem>>) target(%dma_start3A_232 : memref<2000xf32, #tpu.memory_space<hbm>>) target_semaphore(%run_scoped3A : memref<!tpu.dma_semaphore, #tpu.memory_space<semaphore_mem>>)
        %dma_wait3A_233 = tpu.memref_slice %arg15[%add3A_16] : memref<320000xf32, #tpu.memory_space<hbm>> -> memref<2000xf32, #tpu.memory_space<hbm>>
        %dma_wait3A_234 = tpu.memref_slice %arg15[%add3A_16] : memref<320000xf32, #tpu.memory_space<hbm>> -> memref<2000xf32, #tpu.memory_space<hbm>>
        tpu.wait_dma2 semaphore(%run_scoped3A : memref<!tpu.dma_semaphore, #tpu.memory_space<semaphore_mem>>) src(%arg27 : memref<2000xf32, #tpu.memory_space<vmem>>) dst(%dma_wait3A_234 : memref<2000xf32, #tpu.memory_space<hbm>>)
        tpu.yield
      }) : () -> ()
      %dma_wait3A = arith.constant 0 : i32
      %dma_wait3A_135 = arith.constant 0 : i32
      %dma_wait3A_136 = tpu.memref_slice %arg28[%dma_wait3A, %dma_wait3A_135] : memref<16x125xi32, #tpu.memory_space<vmem>> -> memref<1x125xi32, #tpu.memory_space<vmem>>
      %dma_wait3A_137 = tpu.memref_squeeze %dma_wait3A_136 : memref<1x125xi32, #tpu.memory_space<vmem>> -> memref<125xi32, #tpu.memory_space<vmem>>
      %dma_wait3A_138 = arith.constant 0 : i32
      %dma_wait3A_139 = tpu.memref_slice %arg31[%dma_wait3A_138] : memref<10240xf32, #tpu.memory_space<vmem_shared>> -> memref<10240xf32, #tpu.memory_space<vmem_shared>>
      tpu.wait_indirect_dma semaphore(%arg30 : memref<!tpu.dma_semaphore, #tpu.memory_space<semaphore_mem>>) src(%arg29 : memref<125xf32, #tpu.memory_space<vmem>>) dst(%dma_wait3A_139 : memref<10240xf32, #tpu.memory_space<vmem_shared>>)
      %dma_wait3A_140 = arith.constant 1 : i32
      %dma_wait3A_141 = arith.constant 0 : i32
      %dma_wait3A_142 = tpu.memref_slice %arg28[%dma_wait3A_140, %dma_wait3A_141] : memref<16x125xi32, #tpu.memory_space<vmem>> -> memref<1x125xi32, #tpu.memory_space<vmem>>
      %dma_wait3A_143 = tpu.memref_squeeze %dma_wait3A_142 : memref<1x125xi32, #tpu.memory_space<vmem>> -> memref<125xi32, #tpu.memory_space<vmem>>
      %dma_wait3A_144 = arith.constant 0 : i32
      %dma_wait3A_145 = tpu.memref_slice %arg31[%dma_wait3A_144] : memref<10240xf32, #tpu.memory_space<vmem_shared>> -> memref<10240xf32, #tpu.memory_space<vmem_shared>>
      tpu.wait_indirect_dma semaphore(%arg30 : memref<!tpu.dma_semaphore, #tpu.memory_space<semaphore_mem>>) src(%arg29 : memref<125xf32, #tpu.memory_space<vmem>>) dst(%dma_wait3A_145 : memref<10240xf32, #tpu.memory_space<vmem_shared>>)
      %dma_wait3A_146 = arith.constant 2 : i32
      %dma_wait3A_147 = arith.constant 0 : i32
      %dma_wait3A_148 = tpu.memref_slice %arg28[%dma_wait3A_146, %dma_wait3A_147] : memref<16x125xi32, #tpu.memory_space<vmem>> -> memref<1x125xi32, #tpu.memory_space<vmem>>
      %dma_wait3A_149 = tpu.memref_squeeze %dma_wait3A_148 : memref<1x125xi32, #tpu.memory_space<vmem>> -> memref<125xi32, #tpu.memory_space<vmem>>
      %dma_wait3A_150 = arith.constant 0 : i32
      %dma_wait3A_151 = tpu.memref_slice %arg31[%dma_wait3A_150] : memref<10240xf32, #tpu.memory_space<vmem_shared>> -> memref<10240xf32, #tpu.memory_space<vmem_shared>>
      tpu.wait_indirect_dma semaphore(%arg30 : memref<!tpu.dma_semaphore, #tpu.memory_space<semaphore_mem>>) src(%arg29 : memref<125xf32, #tpu.memory_space<vmem>>) dst(%dma_wait3A_151 : memref<10240xf32, #tpu.memory_space<vmem_shared>>)
      %dma_wait3A_152 = arith.constant 3 : i32
      %dma_wait3A_153 = arith.constant 0 : i32
      %dma_wait3A_154 = tpu.memref_slice %arg28[%dma_wait3A_152, %dma_wait3A_153] : memref<16x125xi32, #tpu.memory_space<vmem>> -> memref<1x125xi32, #tpu.memory_space<vmem>>
      %dma_wait3A_155 = tpu.memref_squeeze %dma_wait3A_154 : memref<1x125xi32, #tpu.memory_space<vmem>> -> memref<125xi32, #tpu.memory_space<vmem>>
      %dma_wait3A_156 = arith.constant 0 : i32
      %dma_wait3A_157 = tpu.memref_slice %arg31[%dma_wait3A_156] : memref<10240xf32, #tpu.memory_space<vmem_shared>> -> memref<10240xf32, #tpu.memory_space<vmem_shared>>
      tpu.wait_indirect_dma semaphore(%arg30 : memref<!tpu.dma_semaphore, #tpu.memory_space<semaphore_mem>>) src(%arg29 : memref<125xf32, #tpu.memory_space<vmem>>) dst(%dma_wait3A_157 : memref<10240xf32, #tpu.memory_space<vmem_shared>>)
      %dma_wait3A_158 = arith.constant 4 : i32
      %dma_wait3A_159 = arith.constant 0 : i32
      %dma_wait3A_160 = tpu.memref_slice %arg28[%dma_wait3A_158, %dma_wait3A_159] : memref<16x125xi32, #tpu.memory_space<vmem>> -> memref<1x125xi32, #tpu.memory_space<vmem>>
      %dma_wait3A_161 = tpu.memref_squeeze %dma_wait3A_160 : memref<1x125xi32, #tpu.memory_space<vmem>> -> memref<125xi32, #tpu.memory_space<vmem>>
      %dma_wait3A_162 = arith.constant 0 : i32
      %dma_wait3A_163 = tpu.memref_slice %arg31[%dma_wait3A_162] : memref<10240xf32, #tpu.memory_space<vmem_shared>> -> memref<10240xf32, #tpu.memory_space<vmem_shared>>
      tpu.wait_indirect_dma semaphore(%arg30 : memref<!tpu.dma_semaphore, #tpu.memory_space<semaphore_mem>>) src(%arg29 : memref<125xf32, #tpu.memory_space<vmem>>) dst(%dma_wait3A_163 : memref<10240xf32, #tpu.memory_space<vmem_shared>>)
      %dma_wait3A_164 = arith.constant 5 : i32
      %dma_wait3A_165 = arith.constant 0 : i32
      %dma_wait3A_166 = tpu.memref_slice %arg28[%dma_wait3A_164, %dma_wait3A_165] : memref<16x125xi32, #tpu.memory_space<vmem>> -> memref<1x125xi32, #tpu.memory_space<vmem>>
      %dma_wait3A_167 = tpu.memref_squeeze %dma_wait3A_166 : memref<1x125xi32, #tpu.memory_space<vmem>> -> memref<125xi32, #tpu.memory_space<vmem>>
      %dma_wait3A_168 = arith.constant 0 : i32
      %dma_wait3A_169 = tpu.memref_slice %arg31[%dma_wait3A_168] : memref<10240xf32, #tpu.memory_space<vmem_shared>> -> memref<10240xf32, #tpu.memory_space<vmem_shared>>
      tpu.wait_indirect_dma semaphore(%arg30 : memref<!tpu.dma_semaphore, #tpu.memory_space<semaphore_mem>>) src(%arg29 : memref<125xf32, #tpu.memory_space<vmem>>) dst(%dma_wait3A_169 : memref<10240xf32, #tpu.memory_space<vmem_shared>>)
      %dma_wait3A_170 = arith.constant 6 : i32
      %dma_wait3A_171 = arith.constant 0 : i32
      %dma_wait3A_172 = tpu.memref_slice %arg28[%dma_wait3A_170, %dma_wait3A_171] : memref<16x125xi32, #tpu.memory_space<vmem>> -> memref<1x125xi32, #tpu.memory_space<vmem>>
      %dma_wait3A_173 = tpu.memref_squeeze %dma_wait3A_172 : memref<1x125xi32, #tpu.memory_space<vmem>> -> memref<125xi32, #tpu.memory_space<vmem>>
      %dma_wait3A_174 = arith.constant 0 : i32
      %dma_wait3A_175 = tpu.memref_slice %arg31[%dma_wait3A_174] : memref<10240xf32, #tpu.memory_space<vmem_shared>> -> memref<10240xf32, #tpu.memory_space<vmem_shared>>
      tpu.wait_indirect_dma semaphore(%arg30 : memref<!tpu.dma_semaphore, #tpu.memory_space<semaphore_mem>>) src(%arg29 : memref<125xf32, #tpu.memory_space<vmem>>) dst(%dma_wait3A_175 : memref<10240xf32, #tpu.memory_space<vmem_shared>>)
      %dma_wait3A_176 = arith.constant 7 : i32
      %dma_wait3A_177 = arith.constant 0 : i32
      %dma_wait3A_178 = tpu.memref_slice %arg28[%dma_wait3A_176, %dma_wait3A_177] : memref<16x125xi32, #tpu.memory_space<vmem>> -> memref<1x125xi32, #tpu.memory_space<vmem>>
      %dma_wait3A_179 = tpu.memref_squeeze %dma_wait3A_178 : memref<1x125xi32, #tpu.memory_space<vmem>> -> memref<125xi32, #tpu.memory_space<vmem>>
      %dma_wait3A_180 = arith.constant 0 : i32
      %dma_wait3A_181 = tpu.memref_slice %arg31[%dma_wait3A_180] : memref<10240xf32, #tpu.memory_space<vmem_shared>> -> memref<10240xf32, #tpu.memory_space<vmem_shared>>
      tpu.wait_indirect_dma semaphore(%arg30 : memref<!tpu.dma_semaphore, #tpu.memory_space<semaphore_mem>>) src(%arg29 : memref<125xf32, #tpu.memory_space<vmem>>) dst(%dma_wait3A_181 : memref<10240xf32, #tpu.memory_space<vmem_shared>>)
      %dma_wait3A_182 = arith.constant 8 : i32
      %dma_wait3A_183 = arith.constant 0 : i32
      %dma_wait3A_184 = tpu.memref_slice %arg28[%dma_wait3A_182, %dma_wait3A_183] : memref<16x125xi32, #tpu.memory_space<vmem>> -> memref<1x125xi32, #tpu.memory_space<vmem>>
      %dma_wait3A_185 = tpu.memref_squeeze %dma_wait3A_184 : memref<1x125xi32, #tpu.memory_space<vmem>> -> memref<125xi32, #tpu.memory_space<vmem>>
      %dma_wait3A_186 = arith.constant 0 : i32
      %dma_wait3A_187 = tpu.memref_slice %arg31[%dma_wait3A_186] : memref<10240xf32, #tpu.memory_space<vmem_shared>> -> memref<10240xf32, #tpu.memory_space<vmem_shared>>
      tpu.wait_indirect_dma semaphore(%arg30 : memref<!tpu.dma_semaphore, #tpu.memory_space<semaphore_mem>>) src(%arg29 : memref<125xf32, #tpu.memory_space<vmem>>) dst(%dma_wait3A_187 : memref<10240xf32, #tpu.memory_space<vmem_shared>>)
      %dma_wait3A_188 = arith.constant 9 : i32
      %dma_wait3A_189 = arith.constant 0 : i32
      %dma_wait3A_190 = tpu.memref_slice %arg28[%dma_wait3A_188, %dma_wait3A_189] : memref<16x125xi32, #tpu.memory_space<vmem>> -> memref<1x125xi32, #tpu.memory_space<vmem>>
      %dma_wait3A_191 = tpu.memref_squeeze %dma_wait3A_190 : memref<1x125xi32, #tpu.memory_space<vmem>> -> memref<125xi32, #tpu.memory_space<vmem>>
      %dma_wait3A_192 = arith.constant 0 : i32
      %dma_wait3A_193 = tpu.memref_slice %arg31[%dma_wait3A_192] : memref<10240xf32, #tpu.memory_space<vmem_shared>> -> memref<10240xf32, #tpu.memory_space<vmem_shared>>
      tpu.wait_indirect_dma semaphore(%arg30 : memref<!tpu.dma_semaphore, #tpu.memory_space<semaphore_mem>>) src(%arg29 : memref<125xf32, #tpu.memory_space<vmem>>) dst(%dma_wait3A_193 : memref<10240xf32, #tpu.memory_space<vmem_shared>>)
      %dma_wait3A_194 = arith.constant 10 : i32
      %dma_wait3A_195 = arith.constant 0 : i32
      %dma_wait3A_196 = tpu.memref_slice %arg28[%dma_wait3A_194, %dma_wait3A_195] : memref<16x125xi32, #tpu.memory_space<vmem>> -> memref<1x125xi32, #tpu.memory_space<vmem>>
      %dma_wait3A_197 = tpu.memref_squeeze %dma_wait3A_196 : memref<1x125xi32, #tpu.memory_space<vmem>> -> memref<125xi32, #tpu.memory_space<vmem>>
      %dma_wait3A_198 = arith.constant 0 : i32
      %dma_wait3A_199 = tpu.memref_slice %arg31[%dma_wait3A_198] : memref<10240xf32, #tpu.memory_space<vmem_shared>> -> memref<10240xf32, #tpu.memory_space<vmem_shared>>
      tpu.wait_indirect_dma semaphore(%arg30 : memref<!tpu.dma_semaphore, #tpu.memory_space<semaphore_mem>>) src(%arg29 : memref<125xf32, #tpu.memory_space<vmem>>) dst(%dma_wait3A_199 : memref<10240xf32, #tpu.memory_space<vmem_shared>>)
      %dma_wait3A_200 = arith.constant 11 : i32
      %dma_wait3A_201 = arith.constant 0 : i32
      %dma_wait3A_202 = tpu.memref_slice %arg28[%dma_wait3A_200, %dma_wait3A_201] : memref<16x125xi32, #tpu.memory_space<vmem>> -> memref<1x125xi32, #tpu.memory_space<vmem>>
      %dma_wait3A_203 = tpu.memref_squeeze %dma_wait3A_202 : memref<1x125xi32, #tpu.memory_space<vmem>> -> memref<125xi32, #tpu.memory_space<vmem>>
      %dma_wait3A_204 = arith.constant 0 : i32
      %dma_wait3A_205 = tpu.memref_slice %arg31[%dma_wait3A_204] : memref<10240xf32, #tpu.memory_space<vmem_shared>> -> memref<10240xf32, #tpu.memory_space<vmem_shared>>
      tpu.wait_indirect_dma semaphore(%arg30 : memref<!tpu.dma_semaphore, #tpu.memory_space<semaphore_mem>>) src(%arg29 : memref<125xf32, #tpu.memory_space<vmem>>) dst(%dma_wait3A_205 : memref<10240xf32, #tpu.memory_space<vmem_shared>>)
      %dma_wait3A_206 = arith.constant 12 : i32
      %dma_wait3A_207 = arith.constant 0 : i32
      %dma_wait3A_208 = tpu.memref_slice %arg28[%dma_wait3A_206, %dma_wait3A_207] : memref<16x125xi32, #tpu.memory_space<vmem>> -> memref<1x125xi32, #tpu.memory_space<vmem>>
      %dma_wait3A_209 = tpu.memref_squeeze %dma_wait3A_208 : memref<1x125xi32, #tpu.memory_space<vmem>> -> memref<125xi32, #tpu.memory_space<vmem>>
      %dma_wait3A_210 = arith.constant 0 : i32
      %dma_wait3A_211 = tpu.memref_slice %arg31[%dma_wait3A_210] : memref<10240xf32, #tpu.memory_space<vmem_shared>> -> memref<10240xf32, #tpu.memory_space<vmem_shared>>
      tpu.wait_indirect_dma semaphore(%arg30 : memref<!tpu.dma_semaphore, #tpu.memory_space<semaphore_mem>>) src(%arg29 : memref<125xf32, #tpu.memory_space<vmem>>) dst(%dma_wait3A_211 : memref<10240xf32, #tpu.memory_space<vmem_shared>>)
      %dma_wait3A_212 = arith.constant 13 : i32
      %dma_wait3A_213 = arith.constant 0 : i32
      %dma_wait3A_214 = tpu.memref_slice %arg28[%dma_wait3A_212, %dma_wait3A_213] : memref<16x125xi32, #tpu.memory_space<vmem>> -> memref<1x125xi32, #tpu.memory_space<vmem>>
      %dma_wait3A_215 = tpu.memref_squeeze %dma_wait3A_214 : memref<1x125xi32, #tpu.memory_space<vmem>> -> memref<125xi32, #tpu.memory_space<vmem>>
      %dma_wait3A_216 = arith.constant 0 : i32
      %dma_wait3A_217 = tpu.memref_slice %arg31[%dma_wait3A_216] : memref<10240xf32, #tpu.memory_space<vmem_shared>> -> memref<10240xf32, #tpu.memory_space<vmem_shared>>
      tpu.wait_indirect_dma semaphore(%arg30 : memref<!tpu.dma_semaphore, #tpu.memory_space<semaphore_mem>>) src(%arg29 : memref<125xf32, #tpu.memory_space<vmem>>) dst(%dma_wait3A_217 : memref<10240xf32, #tpu.memory_space<vmem_shared>>)
      %dma_wait3A_218 = arith.constant 14 : i32
      %dma_wait3A_219 = arith.constant 0 : i32
      %dma_wait3A_220 = tpu.memref_slice %arg28[%dma_wait3A_218, %dma_wait3A_219] : memref<16x125xi32, #tpu.memory_space<vmem>> -> memref<1x125xi32, #tpu.memory_space<vmem>>
      %dma_wait3A_221 = tpu.memref_squeeze %dma_wait3A_220 : memref<1x125xi32, #tpu.memory_space<vmem>> -> memref<125xi32, #tpu.memory_space<vmem>>
      %dma_wait3A_222 = arith.constant 0 : i32
      %dma_wait3A_223 = tpu.memref_slice %arg31[%dma_wait3A_222] : memref<10240xf32, #tpu.memory_space<vmem_shared>> -> memref<10240xf32, #tpu.memory_space<vmem_shared>>
      tpu.wait_indirect_dma semaphore(%arg30 : memref<!tpu.dma_semaphore, #tpu.memory_space<semaphore_mem>>) src(%arg29 : memref<125xf32, #tpu.memory_space<vmem>>) dst(%dma_wait3A_223 : memref<10240xf32, #tpu.memory_space<vmem_shared>>)
      %dma_wait3A_224 = arith.constant 15 : i32
      %dma_wait3A_225 = arith.constant 0 : i32
      %dma_wait3A_226 = tpu.memref_slice %arg28[%dma_wait3A_224, %dma_wait3A_225] : memref<16x125xi32, #tpu.memory_space<vmem>> -> memref<1x125xi32, #tpu.memory_space<vmem>>
      %dma_wait3A_227 = tpu.memref_squeeze %dma_wait3A_226 : memref<1x125xi32, #tpu.memory_space<vmem>> -> memref<125xi32, #tpu.memory_space<vmem>>
      %dma_wait3A_228 = arith.constant 0 : i32
      %dma_wait3A_229 = tpu.memref_slice %arg31[%dma_wait3A_228] : memref<10240xf32, #tpu.memory_space<vmem_shared>> -> memref<10240xf32, #tpu.memory_space<vmem_shared>>
      tpu.wait_indirect_dma semaphore(%arg30 : memref<!tpu.dma_semaphore, #tpu.memory_space<semaphore_mem>>) src(%arg29 : memref<125xf32, #tpu.memory_space<vmem>>) dst(%dma_wait3A_229 : memref<10240xf32, #tpu.memory_space<vmem_shared>>)
      %scan3A_230 = arith.constant 0 : i32
      scf.yield %scan3A_230 : i32
    }
    %scan3A_10 = arith.constant 5 : i32
    %barrier3A_11 = arith.constant 0 : index
    tpu.barrier barrier_id(%barrier3A_11)
    "tpu.region"() ({
      %run_scoped3A = tpu.sem_alloc : memref<!tpu.dma_semaphore, #tpu.memory_space<semaphore_mem>>
      %dma_start3A = tpu.memref_slice %arg16[%arg0, %mul3A_4] : memref<2x10240xf32, #tpu.memory_space<hbm>> -> memref<1x640xf32, #tpu.memory_space<hbm>>
      %dma_start3A_12 = tpu.memref_squeeze %dma_start3A : memref<1x640xf32, #tpu.memory_space<hbm>> -> memref<640xf32, #tpu.memory_space<hbm>>
      %dma_start3A_13 = tpu.memref_slice %arg31[%mul3A_4] : memref<10240xf32, #tpu.memory_space<vmem_shared>> -> memref<640xf32, #tpu.memory_space<vmem_shared>>
      tpu.enqueue_dma source(%dma_start3A_13 : memref<640xf32, #tpu.memory_space<vmem_shared>>) target(%dma_start3A_12 : memref<640xf32, #tpu.memory_space<hbm>>) target_semaphore(%run_scoped3A : memref<!tpu.dma_semaphore, #tpu.memory_space<semaphore_mem>>)
      %dma_wait3A = tpu.memref_slice %arg16[%arg0, %mul3A_4] : memref<2x10240xf32, #tpu.memory_space<hbm>> -> memref<1x640xf32, #tpu.memory_space<hbm>>
      %dma_wait3A_14 = tpu.memref_squeeze %dma_wait3A : memref<1x640xf32, #tpu.memory_space<hbm>> -> memref<640xf32, #tpu.memory_space<hbm>>
      %dma_wait3A_15 = tpu.memref_slice %arg31[%mul3A_4] : memref<10240xf32, #tpu.memory_space<vmem_shared>> -> memref<640xf32, #tpu.memory_space<vmem_shared>>
      tpu.wait_dma2 semaphore(%run_scoped3A : memref<!tpu.dma_semaphore, #tpu.memory_space<semaphore_mem>>) src(%dma_wait3A_15 : memref<640xf32, #tpu.memory_space<vmem_shared>>) dst(%dma_wait3A_14 : memref<640xf32, #tpu.memory_space<hbm>>)
      tpu.yield
    }) : () -> ()
    return
  }
}

module attributes {stable_mosaic.version = 14 : i64} {
  func.func @_mlp_body(%arg0: i32, %arg1: memref<3x6400xf32, #tpu.memory_space<vmem>>, %arg2: memref<3x128xf32, #tpu.memory_space<vmem>>, %arg3: memref<1x128xf32, #tpu.memory_space<vmem>>, %arg4: memref<128x128xbf16, #tpu.memory_space<vmem>>, %arg5: memref<1x128xf32, #tpu.memory_space<vmem>>, %arg6: memref<128x128xbf16, #tpu.memory_space<vmem>>, %arg7: memref<1x128xf32, #tpu.memory_space<vmem>>, %arg8: memref<6400x64xi32, #tpu.memory_space<vmem>>) attributes {dimension_semantics = [#tpu.dimension_semantics<arbitrary>], iteration_bounds = array<i64: 50>, scalar_prefetch = 0 : i64, scratch_operands = 0 : i64, tpu.core_type = #tpu.core_type<tc>, window_params = [{transform_indices = @transform_0, window_bounds = array<i64: 3, 6400>}, {pipeline_mode = #tpu.pipeline_mode<synchronous>, transform_indices = @transform_1, window_bounds = array<i64: 3, 128>}, {pipeline_mode = #tpu.pipeline_mode<synchronous>, transform_indices = @transform_2, window_bounds = array<i64: 1, 128>}, {pipeline_mode = #tpu.pipeline_mode<synchronous>, transform_indices = @transform_3, window_bounds = array<i64: 128, 128>}, {pipeline_mode = #tpu.pipeline_mode<synchronous>, transform_indices = @transform_4, window_bounds = array<i64: 1, 128>}, {pipeline_mode = #tpu.pipeline_mode<synchronous>, transform_indices = @transform_5, window_bounds = array<i64: 128, 128>}, {pipeline_mode = #tpu.pipeline_mode<synchronous>, transform_indices = @transform_6, window_bounds = array<i64: 1, 128>}, {transform_indices = @transform_7, window_bounds = array<i64: 6400, 64>}]} {
    %get3A = arith.constant 0 : index
    %get3A_0 = arith.constant 0 : index
    %get3A_1 = vector.load %arg1[%get3A, %get3A_0] : memref<3x6400xf32, #tpu.memory_space<vmem>>, vector<3x6400xf32>
    %get3A_2 = arith.constant 0 : index
    %get3A_3 = arith.constant 0 : index
    %get3A_4 = vector.load %arg2[%get3A_2, %get3A_3] : memref<3x128xf32, #tpu.memory_space<vmem>>, vector<3x128xf32>
    %dot_general3A = arith.constant dense<0.000000e+00> : vector<6400x128xf32>
    %dot_general3A_5 = tpu.matmul %get3A_1, %get3A_4, %dot_general3A {dimension_numbers = #tpu.dot_dimension_numbers<[0], [0], [1], [1], [0, 1, 1, 1], [], []>, transpose_lhs_hint = false} : vector<3x6400xf32>, vector<3x128xf32>, vector<6400x128xf32> -> vector<6400x128xf32>
    %get3A_6 = arith.constant 0 : index
    %get3A_7 = arith.constant 0 : index
    %get3A_8 = vector.load %arg3[%get3A_6, %get3A_7] : memref<1x128xf32, #tpu.memory_space<vmem>>, vector<1x128xf32>
    %add3A = vector.broadcast %get3A_8 : vector<1x128xf32> to vector<6400x128xf32>
    %add3A_9 = arith.addf %dot_general3A_5, %add3A : vector<6400x128xf32>
    %max3A = arith.constant 0.000000e+00 : f32
    %max3A_10 = vector.broadcast %max3A : f32 to vector<6400x128xf32>
    %max3A_11 = arith.maximumf %add3A_9, %max3A_10 : vector<6400x128xf32>
    %convert_element_type3A = arith.truncf %max3A_11 : vector<6400x128xf32> to vector<6400x128xbf16>
    %get3A_12 = arith.constant 0 : index
    %get3A_13 = arith.constant 0 : index
    %get3A_14 = vector.load %arg4[%get3A_12, %get3A_13] : memref<128x128xbf16, #tpu.memory_space<vmem>>, vector<128x128xbf16>
    %dot_general3A_15 = arith.constant dense<0.000000e+00> : vector<6400x128xf32>
    %dot_general3A_16 = tpu.matmul %convert_element_type3A, %get3A_14, %dot_general3A_15 {dimension_numbers = #tpu.dot_dimension_numbers<[1], [0], [0], [1], [0, 0, 1, 1], [], []>, transpose_lhs_hint = false} : vector<6400x128xbf16>, vector<128x128xbf16>, vector<6400x128xf32> -> vector<6400x128xf32>
    %get3A_17 = arith.constant 0 : index
    %get3A_18 = arith.constant 0 : index
    %get3A_19 = vector.load %arg5[%get3A_17, %get3A_18] : memref<1x128xf32, #tpu.memory_space<vmem>>, vector<1x128xf32>
    %add3A_20 = vector.broadcast %get3A_19 : vector<1x128xf32> to vector<6400x128xf32>
    %add3A_21 = arith.addf %dot_general3A_16, %add3A_20 : vector<6400x128xf32>
    %max3A_22 = arith.constant 0.000000e+00 : f32
    %max3A_23 = vector.broadcast %max3A_22 : f32 to vector<6400x128xf32>
    %max3A_24 = arith.maximumf %add3A_21, %max3A_23 : vector<6400x128xf32>
    %convert_element_type3A_25 = arith.truncf %max3A_24 : vector<6400x128xf32> to vector<6400x128xbf16>
    %get3A_26 = arith.constant 0 : index
    %get3A_27 = arith.constant 0 : index
    %get3A_28 = vector.load %arg6[%get3A_26, %get3A_27] : memref<128x128xbf16, #tpu.memory_space<vmem>>, vector<128x128xbf16>
    %dot_general3A_29 = arith.constant dense<0.000000e+00> : vector<6400x128xf32>
    %dot_general3A_30 = tpu.matmul %convert_element_type3A_25, %get3A_28, %dot_general3A_29 {dimension_numbers = #tpu.dot_dimension_numbers<[1], [0], [0], [1], [0, 0, 1, 1], [], []>, transpose_lhs_hint = false} : vector<6400x128xbf16>, vector<128x128xbf16>, vector<6400x128xf32> -> vector<6400x128xf32>
    %get3A_31 = arith.constant 0 : index
    %get3A_32 = arith.constant 0 : index
    %get3A_33 = vector.load %arg7[%get3A_31, %get3A_32] : memref<1x128xf32, #tpu.memory_space<vmem>>, vector<1x128xf32>
    %add3A_34 = vector.broadcast %get3A_33 : vector<1x128xf32> to vector<6400x128xf32>
    %add3A_35 = arith.addf %dot_general3A_30, %add3A_34 : vector<6400x128xf32>
    %slice3A = vector.extract_strided_slice %add3A_35 {offsets = [0, 0], sizes = [6400, 64], strides = [1, 1]} : vector<6400x128xf32> to vector<6400x64xf32>
    %convert_element_type3A_36 = arith.truncf %slice3A : vector<6400x64xf32> to vector<6400x64xbf16>
    %bitcast_convert_type3A = tpu.bitcast %convert_element_type3A_36 : vector<6400x64xbf16> -> vector<6400x64xi16>
    %convert_element_type3A_37 = arith.extui %bitcast_convert_type3A : vector<6400x64xi16> to vector<6400x64xi32>
    %slice3A_38 = vector.extract_strided_slice %add3A_35 {offsets = [0, 64], sizes = [6400, 64], strides = [1, 1]} : vector<6400x128xf32> to vector<6400x64xf32>
    %convert_element_type3A_39 = arith.truncf %slice3A_38 : vector<6400x64xf32> to vector<6400x64xbf16>
    %bitcast_convert_type3A_40 = tpu.bitcast %convert_element_type3A_39 : vector<6400x64xbf16> -> vector<6400x64xi16>
    %convert_element_type3A_41 = arith.extui %bitcast_convert_type3A_40 : vector<6400x64xi16> to vector<6400x64xi32>
    %shift_left3A = arith.constant 16 : i32
    %shift_left3A_42 = vector.broadcast %shift_left3A : i32 to vector<6400x64xi32>
    %shift_left3A_43 = arith.shli %convert_element_type3A_41, %shift_left3A_42 : vector<6400x64xi32>
    %or3A = arith.ori %convert_element_type3A_37, %shift_left3A_43 : vector<6400x64xi32>
    %bitcast_convert_type3A_44 = tpu.bitcast %or3A : vector<6400x64xi32> -> vector<6400x64xi32>
    %swap3A = arith.constant 0 : index
    %swap3A_45 = arith.constant 0 : index
    %swap3A_46 = vector.load %arg8[%swap3A, %swap3A_45] : memref<6400x64xi32, #tpu.memory_space<vmem>>, vector<6400x64xi32>
    tpu.vector_store %arg8[%swap3A, %swap3A_45], %bitcast_convert_type3A_44 {strides = array<i32>} : memref<6400x64xi32, #tpu.memory_space<vmem>>, vector<6400x64xi32>,
    return
  }
  func.func @transform_0(%arg0: i32) -> (i32, i32) {
    %c0_i32 = arith.constant 0 : i32
    %c0_i32_0 = arith.constant 0 : i32
    return %c0_i32, %arg0 : i32, i32
  }
  func.func @transform_1(%arg0: i32) -> (i32, i32) {
    %c0_i32 = arith.constant 0 : i32
    %c0_i32_0 = arith.constant 0 : i32
    %c0_i32_1 = arith.constant 0 : i32
    return %c0_i32, %c0_i32_0 : i32, i32
  }
  func.func @transform_2(%arg0: i32) -> (i32, i32) {
    %c0_i32 = arith.constant 0 : i32
    %c0_i32_0 = arith.constant 0 : i32
    %c0_i32_1 = arith.constant 0 : i32
    return %c0_i32, %c0_i32_0 : i32, i32
  }
  func.func @transform_3(%arg0: i32) -> (i32, i32) {
    %c0_i32 = arith.constant 0 : i32
    %c0_i32_0 = arith.constant 0 : i32
    %c0_i32_1 = arith.constant 0 : i32
    return %c0_i32, %c0_i32_0 : i32, i32
  }
  func.func @transform_4(%arg0: i32) -> (i32, i32) {
    %c0_i32 = arith.constant 0 : i32
    %c0_i32_0 = arith.constant 0 : i32
    %c0_i32_1 = arith.constant 0 : i32
    return %c0_i32, %c0_i32_0 : i32, i32
  }
  func.func @transform_5(%arg0: i32) -> (i32, i32) {
    %c0_i32 = arith.constant 0 : i32
    %c0_i32_0 = arith.constant 0 : i32
    %c0_i32_1 = arith.constant 0 : i32
    return %c0_i32, %c0_i32_0 : i32, i32
  }
  func.func @transform_6(%arg0: i32) -> (i32, i32) {
    %c0_i32 = arith.constant 0 : i32
    %c0_i32_0 = arith.constant 0 : i32
    %c0_i32_1 = arith.constant 0 : i32
    return %c0_i32, %c0_i32_0 : i32, i32
  }
  func.func @transform_7(%arg0: i32) -> (i32, i32) {
    %c0_i32 = arith.constant 0 : i32
    %c0_i32_0 = arith.constant 0 : i32
    return %arg0, %c0_i32 : i32, i32
  }
}

module attributes {stable_mosaic.version = 14 : i64} {
  func.func @_div_body(%arg0: i32, %arg1: memref<2x2000x128xf32, #tpu.memory_space<vmem>>, %arg2: memref<2x2000x1xf32, #tpu.memory_space<vmem>>, %arg3: memref<2000x128xf32, #tpu.memory_space<vmem>>) attributes {dimension_semantics = [#tpu.dimension_semantics<arbitrary>], iteration_bounds = array<i64: 5>, scalar_prefetch = 0 : i64, scratch_operands = 0 : i64, tpu.core_type = #tpu.core_type<tc>, window_params = [{transform_indices = @transform_0, window_bounds = array<i64: 2, 2000, 128>}, {transform_indices = @transform_1, window_bounds = array<i64: 2, 2000, 1>}, {transform_indices = @transform_2, window_bounds = array<i64: 2000, 128>}]} {
    %get3A = arith.constant 0 : index
    %get3A_0 = arith.constant 0 : index
    %get3A_1 = arith.constant 0 : index
    %get3A_2 = vector.load %arg2[%get3A, %get3A_0, %get3A_1] : memref<2x2000x1xf32, #tpu.memory_space<vmem>>, vector<1x2000x1xf32>
    %get3A_3 = vector.shape_cast %get3A_2 : vector<1x2000x1xf32> to vector<2000x1xf32>
    %get3A_4 = arith.constant 1 : index
    %get3A_5 = arith.constant 0 : index
    %get3A_6 = arith.constant 0 : index
    %get3A_7 = vector.load %arg2[%get3A_4, %get3A_5, %get3A_6] : memref<2x2000x1xf32, #tpu.memory_space<vmem>>, vector<1x2000x1xf32>
    %get3A_8 = vector.shape_cast %get3A_7 : vector<1x2000x1xf32> to vector<2000x1xf32>
    %add3A = arith.addf %get3A_3, %get3A_8 : vector<2000x1xf32>
    %max3A = arith.constant 1.000000e+00 : f32
    %max3A_9 = vector.broadcast %max3A : f32 to vector<2000x1xf32>
    %max3A_10 = arith.maximumf %add3A, %max3A_9 : vector<2000x1xf32>
    %div3A = arith.constant 1.000000e+00 : f32
    %div3A_11 = vector.broadcast %div3A : f32 to vector<2000x1xf32>
    %div3A_12 = arith.divf %div3A_11, %max3A_10 : vector<2000x1xf32>
    %get3A_13 = arith.constant 0 : index
    %get3A_14 = arith.constant 0 : index
    %get3A_15 = arith.constant 0 : index
    %get3A_16 = vector.load %arg1[%get3A_13, %get3A_14, %get3A_15] : memref<2x2000x128xf32, #tpu.memory_space<vmem>>, vector<1x2000x128xf32>
    %get3A_17 = vector.shape_cast %get3A_16 : vector<1x2000x128xf32> to vector<2000x128xf32>
    %get3A_18 = arith.constant 1 : index
    %get3A_19 = arith.constant 0 : index
    %get3A_20 = arith.constant 0 : index
    %get3A_21 = vector.load %arg1[%get3A_18, %get3A_19, %get3A_20] : memref<2x2000x128xf32, #tpu.memory_space<vmem>>, vector<1x2000x128xf32>
    %get3A_22 = vector.shape_cast %get3A_21 : vector<1x2000x128xf32> to vector<2000x128xf32>
    %add3A_23 = arith.addf %get3A_17, %get3A_22 : vector<2000x128xf32>
    %mul3A = vector.broadcast %div3A_12 : vector<2000x1xf32> to vector<2000x128xf32>
    %mul3A_24 = arith.mulf %add3A_23, %mul3A : vector<2000x128xf32>
    %swap3A = arith.constant 0 : index
    %swap3A_25 = arith.constant 0 : index
    %swap3A_26 = vector.load %arg3[%swap3A, %swap3A_25] : memref<2000x128xf32, #tpu.memory_space<vmem>>, vector<2000x128xf32>
    tpu.vector_store %arg3[%swap3A, %swap3A_25], %mul3A_24 {strides = array<i32>} : memref<2000x128xf32, #tpu.memory_space<vmem>>, vector<2000x128xf32>,
    return
  }
  func.func @transform_0(%arg0: i32) -> (i32, i32, i32) {
    %c0_i32 = arith.constant 0 : i32
    %c0_i32_0 = arith.constant 0 : i32
    %c0_i32_1 = arith.constant 0 : i32
    return %c0_i32, %arg0, %c0_i32_0 : i32, i32, i32
  }
  func.func @transform_1(%arg0: i32) -> (i32, i32, i32) {
    %c0_i32 = arith.constant 0 : i32
    %c0_i32_0 = arith.constant 0 : i32
    %c0_i32_1 = arith.constant 0 : i32
    return %c0_i32, %arg0, %c0_i32_0 : i32, i32, i32
  }
  func.func @transform_2(%arg0: i32) -> (i32, i32) {
    %c0_i32 = arith.constant 0 : i32
    %c0_i32_0 = arith.constant 0 : i32
    return %arg0, %c0_i32 : i32, i32
  }
}

</mosaic_0001>

<sc_bundles>
// kernel: kernel.6.cloned.1.call-start
scs
__scs_entry_jumppad:
0x0: {  	(pc) =	sbr.rel $0x88, $3  }
0x1: {  	(tag) =	ssettag $0x0;
	lr =	simm.s32 $0x1  }
0x2: {  	[smem:$0x3F97] =	sst lr;
	_ =	strace $0xD0000000  }
0x3: {  	_ = 	snop  }
0x4: {  	_ = 	snop  }
0x5: {  	_ = 	snop  }
0x6: {  	_ = 	snop  }
0x7: {  	_ = 	snop  }
__scs_overlays_trampoline_lowered:
0x8: {  	[smem:$0x3FA6] =	sst s0  }
0x9: {  	[smem:$0x3FA7] =	sst s1  }
0xa: {  	[smem:$0x3FA8] =	sst s2  }
0xb: {  	[smem:$0x3FA9] =	sst s3  }
0xc: {  	[smem:$0x3FAA] =	sst s4  }
0xd: {  	[smem:$0x3FAB] =	sst s5  }
0xe: {  	[smem:$0x3FAC] =	sst s6  }
0xf: {  	[smem:$0x3FAD] =	sst s7  }
0x10: {  	[smem:$0x3FAE] =	sst s8  }
0x11: {  	[smem:$0x3FAF] =	sst s9;
	s0 =	simm.s32 @!p0 $0x0  }
0x12: {  	s1 =	sld [smem:$0x3F95];
	s0 =	simm.s32 @p0 $0x1  }
0x13: {  	[smem:$0x3FB0] =	sst s0;
	s0 =	simm.s32 @!p1 $0x0  }
0x14: {  	s2 =	sld [smem:$0x3F94];
	s0 =	simm.s32 @p1 $0x1  }
0x15: {  	[smem:$0x3FB1] =	sst s0;
	s0 =	simm.s32 @!p2 $0x0  }
0x16: {  	s3 =	sld [smem:$0x3FDB];
	s0 =	simm.s32 @p2 $0x1  }
0x17: {  	s4 =	simm.s32 $0x1BF5;
	[smem:$0x3FB3] =	sst s0  }
0x18: {  	s0 =	sld [smem:$0x3F96];
	_ =	swait.ge [sflag:s4], $0x0  }
0x19: {  	s7 =	sld [smem:$0x3F97]  }
0x1a: {  	s8 =	sadd.s32 $0xFFFFE003, lr  }
0x1b: {  	s9 =	sadd.s32 $0xFFFFFEF7, lr;
	s5 =	simm.s32 $0xFFFFFFFF;
	p2 =	slt.u32 s8, $0xFFFFF086  }
0x1c: {  	p1 =	slt.u32 s9, $0xF7A;
	s5 =	simm.s32 @!p2 $0x0  }
0x1d: {  	s5 =	simm.s32 @p1 $0x1;
	p0 =	seq.s32 s7, s2  }
0x1e: {  	s7 =	smul.u32 @!p0 $0xF7A, s2;
	p2 =	seq.s32 @!p0 s5, $0x0  }
0x1f: {  	s9 =	smul.u32 $0xF7A, s1;
	s8 =	simm.s32 @!p0 $0x1BF5;
	p2 =	por !p2, p0  }
0x20: {  	[sflag:s8] =	ssyncset.s32 @!p0 $0xFFFFF086;
	s6 =	sadd.s32 @!p0 s3, s7;
	s7 =	simm.s32 @!p0 $0x108  }
0x21: {  	s3 =	sadd.s32 s3, s9;
	s6 =	sadd.s32 @!p0 $0x88, s6;
	s7 =	simm.s32 @p2 $0x1082  }
0x22: {  	[simem:s7], [sflag:s8] =	dma.local @!p0 [hbm:s6], $0xF7A  }
0x23: {  	s9 =	sor.u32 $0xD0000000, s2;
	s6 =	simm.s32 $0x108;
	_ =	swait.ge @!p0 [sflag:s8], $0x0  }
0x24: {  	s3 =	sadd.s32 $0x88, s3;
	s6 =	simm.s32 @!p1 $0x1082;
	[sflag:s4] =	ssyncset.s32 $0xFFFFF086  }
0x25: {  	[simem:s6], [sflag:s4] =	dma.local [hbm:s3], $0xF7A  }
0x26: {  	[smem:$0x3F97] =	sst s1;
	(tag) =	ssettag s2;
	_ =	strace s9  }
0x27: {  	s1 =	sld [smem:$0x3FA7]  }
0x28: {  	s2 =	sld [smem:$0x3FA8]  }
0x29: {  	s4 =	sld [smem:$0x3FAA]  }
0x2a: {  	p0 =	seq.s32 s5, $0x0;
	s5 =	sld [smem:$0x3FAB]  }
0x2b: {  	s6 =	sld [smem:$0x3FAC]  }
0x2c: {  	s7 =	sld [smem:$0x3FAD]  }
0x2d: {  	s3 =	simm.s32 $0x108;
	s8 =	sld [smem:$0x3FAE]  }
0x2e: {  	s3 =	simm.s32 @!p0 $0x1082;
	s9 =	sld [smem:$0x3FAF]  }
0x2f: {  	lr =	sadd.s32 s0, s3;
	s0 =	sld [smem:$0x3FA6]  }
0x30: {  	s3 =	sld [smem:$0x3FA9]  }
0x31: {  	[smem:$0x3FB2] =	sst s10  }
0x32: {  	s10 =	sld [smem:$0x3FB0];
	_ =	sdelay $0x3  }
0x33: {  	p0 =	seq.s32 s10, $0x1;
	s10 =	sld [smem:$0x3FB2];
	_ =	sdelay $0x3  }
0x34: {  	[smem:$0x3FB2] =	sst s10  }
0x35: {  	s10 =	sld [smem:$0x3FB1];
	_ =	sdelay $0x3  }
0x36: {  	p1 =	seq.s32 s10, $0x1;
	s10 =	sld [smem:$0x3FB2];
	_ =	sdelay $0x3  }
0x37: {  	[smem:$0x3FB2] =	sst s10  }
0x38: {  	s10 =	sld [smem:$0x3FB3]  }
0x39: {  	_ = 	snop;
	(pc) =	sbr.ind lr, $3  }
0x3a: {  	_ = 	snop  }
0x3b: {  	_ = 	snop  }
0x3c: {  	p2 =	seq.s32 s10, $0x1;
	s10 =	sld [smem:$0x3FB2]  }
0x3d: {  	_ =	shalt  }
0x3e: {  	_ =	shalt  }
0x3f: {  	_ =	shalt  }
0x40: {  	_ =	shalt  }
0x41: {  	_ =	shalt  }
0x42: {  	_ =	shalt  }
0x43: {  	_ =	shalt  }
0x44: {  	_ =	shalt  }
0x45: {  	_ =	shalt  }
0x46: {  	_ =	shalt  }
0x47: {  	_ =	shalt  }
0x48: {  	_ =	shalt  }
0x49: {  	_ =	shalt  }
0x4a: {  	_ =	shalt  }
0x4b: {  	_ =	shalt  }
0x4c: {  	_ =	shalt  }
0x4d: {  	_ =	shalt  }
0x4e: {  	_ =	shalt  }
0x4f: {  	_ =	shalt  }
0x50: {  	_ =	shalt  }
0x51: {  	_ =	shalt  }
0x52: {  	_ =	shalt  }
0x53: {  	_ =	shalt  }
0x54: {  	_ =	shalt  }
0x55: {  	_ =	shalt  }
0x56: {  	_ =	shalt  }
0x57: {  	_ =	shalt  }
0x58: {  	_ =	shalt  }
0x59: {  	_ =	shalt  }
0x5a: {  	_ =	shalt  }
0x5b: {  	_ =	shalt  }
0x5c: {  	_ =	shalt  }
0x5d: {  	_ =	shalt  }
0x5e: {  	_ =	shalt  }
0x5f: {  	_ =	shalt  }
0x60: {  	_ =	shalt  }
0x61: {  	_ =	shalt  }
0x62: {  	_ =	shalt  }
0x63: {  	_ =	shalt  }
0x64: {  	_ =	shalt  }
0x65: {  	_ =	shalt  }
0x66: {  	_ =	shalt  }
0x67: {  	_ =	shalt  }
0x68: {  	_ =	shalt  }
0x69: {  	_ =	shalt  }
0x6a: {  	_ =	shalt  }
0x6b: {  	_ =	shalt  }
0x6c: {  	_ =	shalt  }
0x6d: {  	_ =	shalt  }
0x6e: {  	_ =	shalt  }
0x6f: {  	_ =	shalt  }
0x70: {  	_ =	shalt  }
0x71: {  	_ =	shalt  }
0x72: {  	_ =	shalt  }
0x73: {  	_ =	shalt  }
0x74: {  	_ =	shalt  }
0x75: {  	_ =	shalt  }
0x76: {  	_ =	shalt  }
0x77: {  	_ =	shalt  }
0x78: {  	_ =	shalt  }
0x79: {  	_ =	shalt  }
0x7a: {  	_ =	shalt  }
0x7b: {  	_ =	shalt  }
0x7c: {  	_ =	shalt  }
0x7d: {  	_ =	shalt  }
0x7e: {  	_ =	shalt  }
0x7f: {  	_ =	shalt  }
0x80: {  	_ =	shalt  }
0x81: {  	_ =	shalt  }
0x82: {  	_ =	shalt  }
0x83: {  	_ =	shalt  }
0x84: {  	_ =	shalt  }
0x85: {  	_ =	shalt  }
0x86: {  	_ =	shalt  }
0x87: {  	_ =	shalt  }
.Lfunc_end0:
.L_simem_size_0:
called_computation_lowered:
.L_overlay_start_0:
0x88: {  	s2 =	sld [smem:$0x3FD9]  }
0x89: {  	s3 =	sld [smem:$0x3FFE];
	_ =	sdelay $0x1  }
0x8a: {  	s1 =	srdreg.scid  }
0x8b: {  	s0 =	sand.u32 $0x1, s1  }
0x8c: {  	s17 =	sshll.u32 s0, $0xA;
	s2 =	sadd.s32 s3, s2  }
0x8d: {  	s2 =	sadd.s32 s2, s17  }
0x8e: {  	[smem:$0x3FBE] =	sst s2  }
0x8f: {  	_ = 	snop  }
0x90: {  	s2 =	sld [smem:$0x3FD0];
	(tm) =	ssettm $0x1  }
0x91: {  	s18 =	sld [smem:$0x3FFB];
	_ =	sdelay $0x3  }
0x92: {  	_ =	strace s18  }
0x93: {  	s3 =	sld [smem:$0x3FFC];
	_ =	sdelay $0x3  }
0x94: {  	_ =	strace s3  }
0x95: {  	s3 =	sld [smem:$0x3FFD];
	_ =	sdelay $0x3  }
0x96: {  	_ =	strace s3  }
0x97: {  	_ =	strace $0x8FFFFFFF  }
0x98: {  	s19 =	sld [smem:$0x3FDB];
	_ =	sdelay $0x1  }
0x99: {  	s4 =	simm.s32 $_scs_section_size  }
0x9a: {  	s5 =	simm.s32 $_size__tile_overlayer_lowered;
	s6 =	simm.s32 $_tile_overlayer_lowered  }
0x9b: {  	s22 =	simm.s32 $0x1BFF;
	s21 =	sshll.u32 s6, $0x1;
	s3 =	sadd.s32 s4, s19  }
0x9c: {  	s7 =	simm.s32 $0x0;
	s20 =	sshll.u32 s5, $0x1;
	s5 =	sadd.s32 s21, s3  }
0x9d: {  	[timem:s7], [sflag:s22] =	dma.local [hbm:s5], s20  }
0x9e: {  	_ =	swait.ge [sflag:s22], s20  }
0x9f: {  	s4 =	ssub.s32 $0x0, s20;
	[sflag:s22] =	ssyncset.done $0x0  }
0xa0: {  	[sflag:s22] =	ssyncadd.s32 s4;
	_ =	sdelay $0x1  }
0xa1: {  	s23 =	simm.s32 $0x1B8B  }
0xa2: {  	_ =	swait.ge [sflag:s23], $0x1  }
0xa3: {  	[sflag:s23] =	ssyncset.done $0x0  }
0xa4: {  	s25 =	simm.s32 $0x1B8E;
	s24 =	sld [smem:$0x3FFE];
	[sflag:s23] =	ssyncadd.s32 $0xFFFFFFFF  }
0xa5: {  	s26 =	simm.s32 $execute0_lowered;
	[smem:$0x3FD2] =	sst s25  }
0xa6: {  	s5 =	sshll.u32 s26, $0x1;
	_ =	strace $0x80000046;
	[dreg:$0x1] =	wrdreg $0xFFFFFFFF  }
0xa7: {  	s28 =	simm.s32 $_size_execute0_lowered;
	s3 =	sadd.s32 s3, s5;
	[dreg:$0x0] =	wrdreg $0x0  }
0xa8: {  	s5 =	sshll.u32 s28, $0x1;
	[dreg:$0x2] =	wrdreg s3  }
0xa9: {  	[dreg:$0x3] =	wrdreg s5  }
0xaa: {  	[dreg:$0x4] =	wrdreg $0xC0  }
0xab: {  	_ =	task [dreg:s7], $0x5FFFF  }
0xac: {  	[dreg:$0x1] =	wrdreg $0xFFFFFFFF  }
0xad: {  	[dreg:$0x0] =	wrdreg $0x60  }
0xae: {  	[dreg:$0x2] =	wrdreg s24  }
0xaf: {  	[dreg:$0x3] =	wrdreg s2  }
0xb0: {  	[dreg:$0x4] =	wrdreg $0x11D800  }
0xb1: {  	[dreg:$0x5] =	wrdreg $0x9  }
0xb2: {  	_ =	task.clear_ibuf [dreg:s7], $0x6FFFF;
	_ =	strace $0x90000046  }
0xb3: {  	s29 =	simm.s32 $0x9;
	_ =	strace $0x80000048  }
0xb4: {  	_ =	swait.ge [sflag:s29], $0x1  }
0xb5: {  	[sflag:s29] =	ssyncadd.s32 $0xFFFFFFFF  }
0xb6: {  	_ =	strace $0x90000048  }
0xb7: {  	_ =	sfence  }
0xb8: {  	s30 =	sld [smem:$0x0];
	_ =	sdelay $0x2  }
0xb9: {  	s31 =	sshll.u32 s1, $0xD;
	s1 =	sshrl.u32 s1, $0x2  }
0xba: {  	s3 =	sand.u32 $0x4000, s31;
	s1 =	sadd.s32 s1, s30  }
0xbb: {  	s0 =	sor.u32 s3, s0;
	s1 =	sshll.u32 s1, $0x11  }
0xbc: {  	s0 =	sor.u32 s1, s0  }
0xbd: {  	s0 =	sadd.s32 $0x8F2B, s0  }
0xbe: {  	[sflag:s0] =	ssyncadd.remote.s32 $0x1  }
0xbf: {  	_ =	sfence.sel $0xFFFF  }
0xc0: {  	[dreg:$0x0] =	wrdreg $0xFFFFFFFF;
	(pc) =	sbr.abs _section_cstart, $3  }
0xc1: {  	[dreg:$0x1] =	wrdreg $0xFFFFFFFF  }
0xc2: {  	_ =	task.clear_ibuf [dreg:s7], $0x2FFFF;
	_ =	strace $0x9FFFFFFF  }
0xc3: {  	(tm) =	ssettm $0x7FFFFFFF  }
tec
execute0_lowered:
.L_overlay_start_1:
0x0: {  	(tag) =	ssettag $0x1  }
0x1: {  	s6 =	rddreg [dreg:$0x0]  }
0x2: {  	s3 =	rddreg [dreg:$0x2];
	s4 =	simm.s32 $0x0  }
0x3: {  	s18 =	srdreg.scid;
	s7 =	stileid.u32;
	s28 =	simm.s32 $0x9E00  }
0x4: {  	s29 =	simm.s32 $0xC580;
	s30 =	simm.s32 $0x11D00;
	s9 =	simm.s32 $0x11500  }
0x5: {  	s31 =	simm.s32 $0x11C00;
	[smem:$0x7FF] =	sst s4;
	s0 =	sadd.s32 $0x14E00, s6  }
0x6: {  	s13 =	sadd.s32 $0x15400, s6;
	_ =	strace $0x80000047;
	[dreg:$0x4] =	wrdreg s0  }
0x7: {  	s8 =	simm.s32 $0x10D00;
	s14 =	sadd.s32 $0x15A00, s6;
	[dreg:$0x5] =	wrdreg s13  }
0x8: {  	s10 =	simm.s32 $0x1;
	s15 =	sadd.s32 $0x14800, s6;
	[dreg:$0x6] =	wrdreg s14  }
0x9: {  	s16 =	sadd.s32 $0x14200, s6;
	s17 =	sadd.s32 $0x13C00, s6;
	[dreg:$0x7] =	wrdreg s15  }
0xa: {  	s12 =	sadd.s32 $0x9E00, s6;
	s1 =	sadd.s32 $0x16000, s6;
	[dreg:$0x8] =	wrdreg s16  }
0xb: {  	s19 =	smul.u32 $0x500, s7;
	s2 =	sadd.s32 $0x16200, s6;
	[dreg:$0x9] =	wrdreg s17  }
0xc: {  	s5 =	smul.u32 $0xA00, s7;
	s26 =	sshll.u32 s7, $0x6;
	[dreg:$0xa] =	wrdreg s1  }
0xd: {  	s0 =	sand.u32 $0x1, s18;
	[dreg:$0xb] =	wrdreg s2;
	s15 =	sadd.s32 $0x16400, s6  }
0xe: {  	s16 =	sadd.s32 $0x20200, s6;
	s17 =	sadd.s32 $0x2A000, s6;
	s13 =	sor.u32 $0x1C02, s26  }
0xf: {  	s26 =	simm.s32 $0x7680;
	s14 =	simm.s32 $0x0;
	s20 =	sshll.u32 s0, $0x7  }
0x10: {  	s21 =	ssub.s32 $0x2, s0;
	s0 =	sshll.u32 s0, $0x4;
	s5 =	sshrl.u32 s5, $0x2  }
0x11: {  	[dreg:$0xf] =	wrdreg s13;
	s1 =	sor.u32 s20, s19;
	s22 =	sshrl.u32 s21, $0x1  }
0x12: {  	s0 =	sor.u32 s7, s0;
	s23 =	sadd.s32 s5, s3;
	s5 =	simm.s32 $0x7D  }
0x13: {  	s7 =	simm.s32 $0x10500;
	s1 =	sshrl.u32 s1, $0x3;
	s2 =	ssub.s32 s21, s22  }
0x14: {  	s18 =	smul.u32 $0x2710, s0;
	[dreg:$0xc] =	wrdreg s23;
	s22 =	simm.s32 $0x2  }
0x15: {  	s23 =	simm.s32 $0x2780;
	s0 =	simm.s32 $0x11C80;
	s1 =	sadd.s32 s1, s6  }
0x16: {  	s25 =	smax.u32 s2, $0x1;
	s2 =	simm.s32 $0x11B00;
	s6 =	simm.s32 $0xFD00  }
0x17: {  	s24 =	sadd.s32 $0x33E00, s1;
	[dreg:$0xe] =	wrdreg s25;
	s25 =	simm.s32 $0x11A80  }
0x18: {  	s1 =	simm.s32 $0x11B80;
	[dreg:$0xd] =	wrdreg s24;
	s24 =	simm.s32 $0x4F00  }
.LBB2_1:
0x19: {  	[dreg:$0x10] =	wrdreg s14  }
0x1a: {  	s11 =	rddreg [dreg:$0x4]  }
0x1b: {  	[tilespmem:s4], [sflag:$0x2] =	stream.linear.gather [hbm4b:s11+s4], $0x2780, $0x38;
	[tilespmem:$0x12000] =	vst v63  }
0x1c: {  	_ =	swait.ge [sflag:s22], $0x2780  }
0x1d: {  	[sflag:s22] =	ssyncset.done $0x0  }
0x1e: {  	s21 =	rddreg [dreg:$0x5];
	[sflag:s22] =	ssyncadd.s32 $0xFFFFD880  }
0x1f: {  	[tilespmem:s23], [sflag:$0x2] =	stream.linear.gather [hbm4b:s21+s4], $0x2780, $0x38;
	[tilespmem:$0x12000] =	vst v63  }
0x20: {  	_ =	swait.ge [sflag:s22], $0x2780  }
0x21: {  	[sflag:s22] =	ssyncset.done $0x0  }
0x22: {  	s14 =	rddreg [dreg:$0x6];
	[sflag:s22] =	ssyncadd.s32 $0xFFFFD880  }
0x23: {  	[tilespmem:s24], [sflag:$0x2] =	stream.linear.gather [hbm4b:s14+s4], $0x2780, $0x38;
	[tilespmem:$0x12000] =	vst v63  }
0x24: {  	_ =	swait.ge [sflag:s22], $0x2780  }
0x25: {  	[sflag:s22] =	ssyncset.done $0x0  }
0x26: {  	s19 =	rddreg [dreg:$0x7];
	[sflag:s22] =	ssyncadd.s32 $0xFFFFD880  }
0x27: {  	[tilespmem:s26], [sflag:$0x2] =	stream.linear.gather [hbm4b:s19+s4], $0x2780, $0x38;
	[tilespmem:$0x12000] =	vst v63  }
0x28: {  	_ =	swait.ge [sflag:s22], $0x2780  }
0x29: {  	[sflag:s22] =	ssyncset.done $0x0  }
0x2a: {  	s20 =	rddreg [dreg:$0x8];
	[sflag:s22] =	ssyncadd.s32 $0xFFFFD880  }
0x2b: {  	[tilespmem:s28], [sflag:$0x2] =	stream.linear.gather [hbm4b:s20+s4], $0x2780, $0x38;
	[tilespmem:$0x12000] =	vst v63  }
0x2c: {  	_ =	swait.ge [sflag:s22], $0x2780  }
0x2d: {  	[sflag:s22] =	ssyncset.done $0x0  }
0x2e: {  	s21 =	rddreg [dreg:$0x9];
	[sflag:s22] =	ssyncadd.s32 $0xFFFFD880  }
0x2f: {  	[tilespmem:s29], [sflag:$0x2] =	stream.linear.gather [hbm4b:s21+s4], $0x2780, $0x38;
	[tilespmem:$0x12000] =	vst v63  }
0x30: {  	_ =	swait.ge [sflag:s22], $0x2780  }
0x31: {  	s14 =	rddreg [dreg:$0xc]  }
0x32: {  	[sflag:s22] =	ssyncset.done $0x0;
	s20 =	rddreg [dreg:$0xa];
	s19 =	sshrl.u32 s14, $0x3  }
0x33: {  	[sflag:s22] =	ssyncadd.s32 $0xFFFFD880;
	[dreg:$0x11] =	wrdreg s19  }
0x34: {  	[spmem:s19], [sflag:s13] =	dma.local [hbm:s20], $0x50  }
0x35: {  	_ =	swait.ge [sflag:s22], $0x50  }
0x36: {  	[sflag:s22] =	ssyncset.done $0x0  }
0x37: {  	s21 =	rddreg [dreg:$0xb];
	[sflag:s22] =	ssyncadd.s32 $0xFFFFFFB0  }
0x38: {  	[tilespmem:s30], [sflag:$0x2] =	stream.linear.gather [hbm4b:s21+s4], $0x80, $0x38;
	[tilespmem:$0x12000] =	vst v63  }
0x39: {  	_ =	swait.ge [sflag:s22], $0x80  }
0x3a: {  	[sflag:s22] =	ssyncset.done $0x0  }
0x3b: {  	[sflag:s22] =	ssyncadd.s32 $0xFFFFFF80  }
0x3c: {  	s11 =	simm.s32 $0x0;
	[bflag:$0x0] =	sbarrier.arrive $0xFFFF  }
.LBB2_2:
0x3d: {  	s13 =	smul.u32 $0x7D0, s11;
	_ =	sdelay $0x1  }
0x3e: {  	s14 =	sadd.s32 s18, s13  }
0x3f: {  	s19 =	rddreg [dreg:$0x0];
	s13 =	sshrl.u32 s14, $0x3  }
0x40: {  	s20 =	simm.s32 $0x0;
	s21 =	simm.s32 $0xED00;
	s19 =	sadd.s32 s19, s13  }
0x41: {  	[tilespmem:s21], [sflag:$0x2] =	stream.linear.gather [hbm4b:s19+s20], $0x7D0, $0x38;
	[tilespmem:$0x12000] =	vst v63  }
0x42: {  	_ =	swait.ge [sflag:s22], $0x7D0  }
0x43: {  	[sflag:s22] =	ssyncset.done $0x0  }
0x44: {  	s19 =	sadd.s32 s12, s13;
	s21 =	simm.s32 $0xF500;
	[sflag:s22] =	ssyncadd.s32 $0xFFFFF830  }
0x45: {  	[tilespmem:s21], [sflag:$0x2] =	stream.linear.gather [hbm4b:s19+s20], $0x7D0, $0x38;
	[tilespmem:$0x12000] =	vst v63  }
0x46: {  	s14 =	smulhi.u32 $0x10624DD3, s14;
	_ =	swait.ge [sflag:s22], $0x7D0  }
0x47: {  	[sflag:s22] =	ssyncset.done $0x0  }
0x48: {  	s14 =	sshll.u32 s14, $0x1;
	[sflag:s22] =	ssyncadd.s32 $0xFFFFF830  }
0x49: {  	s14 =	sand.u32 $0xFFFFF80, s14;
	s21 =	rddreg [dreg:$0x1]  }
0x4a: {  	s14 =	sadd.s32 s21, s14  }
0x4b: {  	[tilespmem:s9], [sflag:$0x2] =	stream.linear.gather [hbm4b:s14+s20], $0x800, $0x38;
	[tilespmem:$0x12000] =	vst v63  }
0x4c: {  	_ =	swait.ge [sflag:s22], $0x800  }
0x4d: {  	[sflag:s22] =	ssyncset.done $0x0  }
0x4e: {  	[sflag:s22] =	ssyncadd.s32 $0xFFFFF800  }
0x4f: {  	[spmem:s3] =	stream.indirect.scatter.add.f32 [tilespmem:s30], [sflag:$0x1], $0x1, s9, s5, $0xb8;
	[tilespmem:$0x12000] =	vst v63  }
0x50: {  	s21 =	simm.s32 $0x11580  }
0x51: {  	[spmem:s3] =	stream.indirect.scatter.add.f32 [tilespmem:s30], [sflag:$0x1], $0x1, s21, s5, $0xb8;
	[tilespmem:$0x12000] =	vst v63  }
0x52: {  	s19 =	simm.s32 $0x11600  }
0x53: {  	[spmem:s3] =	stream.indirect.scatter.add.f32 [tilespmem:s30], [sflag:$0x1], $0x1, s19, s5, $0xb8;
	[tilespmem:$0x12000] =	vst v63  }
0x54: {  	s20 =	simm.s32 $0x11680  }
0x55: {  	[spmem:s3] =	stream.indirect.scatter.add.f32 [tilespmem:s30], [sflag:$0x1], $0x1, s20, s5, $0xb8;
	[tilespmem:$0x12000] =	vst v63  }
0x56: {  	s21 =	simm.s32 $0x11700  }
0x57: {  	[spmem:s3] =	stream.indirect.scatter.add.f32 [tilespmem:s30], [sflag:$0x1], $0x1, s21, s5, $0xb8;
	[tilespmem:$0x12000] =	vst v63  }
0x58: {  	s19 =	simm.s32 $0x11780  }
0x59: {  	[spmem:s3] =	stream.indirect.scatter.add.f32 [tilespmem:s30], [sflag:$0x1], $0x1, s19, s5, $0xb8;
	[tilespmem:$0x12000] =	vst v63  }
0x5a: {  	s20 =	simm.s32 $0x11800  }
0x5b: {  	[spmem:s3] =	stream.indirect.scatter.add.f32 [tilespmem:s30], [sflag:$0x1], $0x1, s20, s5, $0xb8;
	[tilespmem:$0x12000] =	vst v63  }
0x5c: {  	s21 =	simm.s32 $0x11880  }
0x5d: {  	[spmem:s3] =	stream.indirect.scatter.add.f32 [tilespmem:s30], [sflag:$0x1], $0x1, s21, s5, $0xb8;
	[tilespmem:$0x12000] =	vst v63  }
0x5e: {  	s19 =	simm.s32 $0x11900  }
0x5f: {  	[spmem:s3] =	stream.indirect.scatter.add.f32 [tilespmem:s30], [sflag:$0x1], $0x1, s19, s5, $0xb8;
	[tilespmem:$0x12000] =	vst v63  }
0x60: {  	s20 =	simm.s32 $0x11980  }
0x61: {  	[spmem:s3] =	stream.indirect.scatter.add.f32 [tilespmem:s30], [sflag:$0x1], $0x1, s20, s5, $0xb8;
	[tilespmem:$0x12000] =	vst v63  }
0x62: {  	s21 =	simm.s32 $0x11A00  }
0x63: {  	[spmem:s3] =	stream.indirect.scatter.add.f32 [tilespmem:s30], [sflag:$0x1], $0x1, s21, s5, $0xb8;
	[tilespmem:$0x12000] =	vst v63  }
0x64: {  	_ = 	snop  }
0x65: {  	[spmem:s3] =	stream.indirect.scatter.add.f32 [tilespmem:s30], [sflag:$0x1], $0x1, s25, s5, $0xb8;
	[tilespmem:$0x12000] =	vst v63  }
0x66: {  	_ = 	snop  }
0x67: {  	[spmem:s3] =	stream.indirect.scatter.add.f32 [tilespmem:s30], [sflag:$0x1], $0x1, s2, s5, $0xb8;
	[tilespmem:$0x12000] =	vst v63  }
0x68: {  	_ = 	snop  }
0x69: {  	[spmem:s3] =	stream.indirect.scatter.add.f32 [tilespmem:s30], [sflag:$0x1], $0x1, s1, s5, $0xb8;
	[tilespmem:$0x12000] =	vst v63  }
0x6a: {  	_ = 	snop  }
0x6b: {  	[spmem:s3] =	stream.indirect.scatter.add.f32 [tilespmem:s30], [sflag:$0x1], $0x1, s31, s5, $0xb8;
	[tilespmem:$0x12000] =	vst v63  }
0x6c: {  	s14 =	simm.s32 $0x0  }
0x6d: {  	[spmem:s3] =	stream.indirect.scatter.add.f32 [tilespmem:s30], [sflag:$0x1], $0x1, s0, s5, $0xb8;
	[tilespmem:$0x12000] =	vst v63  }
0x6e: {  	v0 =	vld [tilespmem:s14+$0xED00]  }
0x6f: {  	v1 =	vld [tilespmem:s14+$0xF500];
	_ =	sdelay $0x6  }
0x70: {  	v2 =	vld.idx.msk [tilespmem:v0+s4+$0x0], $0xffff  }
0x71: {  	v3 =	vld.idx.msk [tilespmem:v1+s26+$0x0], $0xffff;
	_ =	sdelay $0x4  }
0x72: {  	v2 =	vsub.f32 v2, v3;
	_ =	sdelay $0x1  }
0x73: {  	v2 =	vmul.f32 $5.458363890e-01, v2;
	_ =	sdelay $0x1  }
0x74: {  	[tilespmem:s14+$0xFD00] =	vst v2  }
0x75: {  	v2 =	vld.idx.msk [tilespmem:v0+s23+$0x0], $0xffff  }
0x76: {  	v3 =	vld.idx.msk [tilespmem:v1+s28+$0x0], $0xffff;
	_ =	sdelay $0x4  }
0x77: {  	v2 =	vsub.f32 v2, v3;
	_ =	sdelay $0x1  }
0x78: {  	v2 =	vmul.f32 $5.458363890e-01, v2;
	_ =	sdelay $0x1  }
0x79: {  	[tilespmem:s14+$0x10500] =	vst v2  }
0x7a: {  	v2 =	vld.idx.msk [tilespmem:v0+s24+$0x0], $0xffff  }
0x7b: {  	v3 =	vld.idx.msk [tilespmem:v1+s29+$0x0], $0xffff  }
0x7c: {  	s20 =	simm.s32 $0x10  }
0x7d: {  	v0 =	vld [tilespmem:s20+$0xED00]  }
0x7e: {  	v1 =	vld [tilespmem:s20+$0xF500];
	_ =	sdelay $0x1  }
0x7f: {  	s19 =	simm.s32 $0x80;
	v2 =	vsub.f32 v2, v3  }
.LBB2_3:
0x80: {  	p0 =	sne.s32 s19, $0x1F00;
	s21 =	smov.u32 s19;
	s19 =	sadd.s32 $0x40, s19  }
0x81: {  	v2 =	vmul.f32 $5.458363890e-01, v2;
	_ =	sdelay $0x1  }
0x82: {  	[tilespmem:s14+$0x10D00] =	vst v2;
	s14 =	smov.u32 s20  }
0x83: {  	v2 =	vld.idx.msk [tilespmem:v0+s4+$0x0], $0xffff  }
0x84: {  	v3 =	vld.idx.msk [tilespmem:v1+s26+$0x0], $0xffff;
	_ =	sdelay $0x5  }
0x85: {  	v2 =	vsub.f32 v2, v3;
	_ =	sdelay $0x1  }
0x86: {  	v2 =	vmul.f32 $5.458363890e-01, v2;
	_ =	sdelay $0x1  }
0x87: {  	[tilespmem:s14+$0xFD00] =	vst v2  }
0x88: {  	v2 =	vld.idx.msk [tilespmem:v0+s23+$0x0], $0xffff  }
0x89: {  	v3 =	vld.idx.msk [tilespmem:v1+s28+$0x0], $0xffff;
	_ =	sdelay $0x5  }
0x8a: {  	v2 =	vsub.f32 v2, v3;
	_ =	sdelay $0x1  }
0x8b: {  	v2 =	vmul.f32 $5.458363890e-01, v2;
	_ =	sdelay $0x1  }
0x8c: {  	[tilespmem:s14+$0x10500] =	vst v2  }
0x8d: {  	v2 =	vld.idx.msk [tilespmem:v0+s24+$0x0], $0xffff  }
0x8e: {  	v3 =	vld.idx.msk [tilespmem:v1+s29+$0x0], $0xffff;
	_ =	sdelay $0x1  }
.Ltmp0:
0x8f: {  	s20 =	sshra.s32 s21, $0x2;
	(pc) =	sbr.rel @p0 .LBB2_3-.Ltmp0, $3  }
0x90: {  	v0 =	vld [tilespmem:s20+$0xED00]  }
0x91: {  	v1 =	vld [tilespmem:s20+$0xF500];
	_ =	sdelay $0x1  }
0x92: {  	v2 =	vsub.f32 v2, v3  }
0x93: {  	_ =	sdelay $0x1  }
0x94: {  	v2 =	vmul.f32 $5.458363890e-01, v2;
	_ =	sdelay $0x1  }
0x95: {  	[tilespmem:s14+$0x10D00] =	vst v2  }
0x96: {  	v2 =	vld.idx.msk [tilespmem:v0+s4+$0x0], $0xffff  }
0x97: {  	v3 =	vld.idx.msk [tilespmem:v1+s26+$0x0], $0xffff;
	_ =	sdelay $0x4  }
0x98: {  	v2 =	vsub.f32 v2, v3;
	_ =	sdelay $0x1  }
0x99: {  	v2 =	vmul.f32 $5.458363890e-01, v2;
	_ =	sdelay $0x1  }
0x9a: {  	[tilespmem:s20+$0xFD00] =	vst v2  }
0x9b: {  	v2 =	vld.idx.msk [tilespmem:v0+s23+$0x0], $0xffff  }
0x9c: {  	v61 =	vld.idx.msk [tilespmem:v1+s28+$0x0], $0xffff;
	_ =	sdelay $0x4  }
0x9d: {  	v2 =	vsub.f32 v2, v61;
	_ =	sdelay $0x1  }
0x9e: {  	v2 =	vmul.f32 $5.458363890e-01, v2;
	_ =	sdelay $0x1  }
0x9f: {  	[tilespmem:s20+$0x10500] =	vst v2  }
0xa0: {  	v62 =	vld.idx.msk [tilespmem:v0+s24+$0x0], $0xffff  }
0xa1: {  	v63 =	vld.idx.msk [tilespmem:v1+s29+$0x0], $0xffff;
	_ =	sdelay $0x4  }
0xa2: {  	v0 =	vsub.f32 v62, v63;
	_ =	sdelay $0x1  }
0xa3: {  	v0 =	vmul.f32 $5.458363890e-01, v0;
	_ =	sdelay $0x1  }
0xa4: {  	s19 =	sadd.s32 s15, s13;
	[tilespmem:s20+$0x10D00] =	vst v0  }
0xa5: {  	[hbm4b:s19+s4] =	stream.linear.scatter [tilespmem:s6], [sflag:$0x2], $0x7D0, $0x38;
	[tilespmem:$0x12000] =	vst v63  }
0xa6: {  	_ =	swait.ge [sflag:s22], $0x7D0  }
0xa7: {  	[sflag:s22] =	ssyncset.done $0x0  }
0xa8: {  	s20 =	sadd.s32 s16, s13;
	[sflag:s22] =	ssyncadd.s32 $0xFFFFF830  }
0xa9: {  	[hbm4b:s20+s4] =	stream.linear.scatter [tilespmem:s7], [sflag:$0x2], $0x7D0, $0x38;
	[tilespmem:$0x12000] =	vst v63  }
0xaa: {  	_ =	swait.ge [sflag:s22], $0x7D0  }
0xab: {  	[sflag:s22] =	ssyncset.done $0x0  }
0xac: {  	s21 =	sadd.s32 s17, s13;
	[sflag:s22] =	ssyncadd.s32 $0xFFFFF830  }
0xad: {  	[hbm4b:s21+s4] =	stream.linear.scatter [tilespmem:s8], [sflag:$0x2], $0x7D0, $0x38;
	[tilespmem:$0x12000] =	vst v63  }
0xae: {  	_ =	swait.ge [sflag:s22], $0x7D0  }
0xaf: {  	[sflag:s22] =	ssyncset.done $0x0  }
0xb0: {  	[sflag:s22] =	ssyncadd.s32 $0xFFFFF830  }
0xb1: {  	_ =	swait.ge [sflag:s10], $0x7D  }
0xb2: {  	[sflag:s10] =	ssyncset.done $0x0  }
0xb3: {  	[sflag:s10] =	ssyncadd.s32 $0xFFFFFF83  }
0xb4: {  	_ =	swait.ge [sflag:s10], $0x7D  }
0xb5: {  	[sflag:s10] =	ssyncset.done $0x0  }
0xb6: {  	[sflag:s10] =	ssyncadd.s32 $0xFFFFFF83  }
0xb7: {  	_ =	swait.ge [sflag:s10], $0x7D  }
0xb8: {  	[sflag:s10] =	ssyncset.done $0x0  }
0xb9: {  	[sflag:s10] =	ssyncadd.s32 $0xFFFFFF83  }
0xba: {  	_ =	swait.ge [sflag:s10], $0x7D  }
0xbb: {  	[sflag:s10] =	ssyncset.done $0x0  }
0xbc: {  	[sflag:s10] =	ssyncadd.s32 $0xFFFFFF83  }
0xbd: {  	_ =	swait.ge [sflag:s10], $0x7D  }
0xbe: {  	[sflag:s10] =	ssyncset.done $0x0  }
0xbf: {  	[sflag:s10] =	ssyncadd.s32 $0xFFFFFF83  }
0xc0: {  	_ =	swait.ge [sflag:s10], $0x7D  }
0xc1: {  	[sflag:s10] =	ssyncset.done $0x0  }
0xc2: {  	[sflag:s10] =	ssyncadd.s32 $0xFFFFFF83  }
0xc3: {  	_ =	swait.ge [sflag:s10], $0x7D  }
0xc4: {  	[sflag:s10] =	ssyncset.done $0x0  }
0xc5: {  	[sflag:s10] =	ssyncadd.s32 $0xFFFFFF83  }
0xc6: {  	_ =	swait.ge [sflag:s10], $0x7D  }
0xc7: {  	[sflag:s10] =	ssyncset.done $0x0  }
0xc8: {  	[sflag:s10] =	ssyncadd.s32 $0xFFFFFF83  }
0xc9: {  	_ =	swait.ge [sflag:s10], $0x7D  }
0xca: {  	[sflag:s10] =	ssyncset.done $0x0  }
0xcb: {  	[sflag:s10] =	ssyncadd.s32 $0xFFFFFF83  }
0xcc: {  	_ =	swait.ge [sflag:s10], $0x7D  }
0xcd: {  	[sflag:s10] =	ssyncset.done $0x0  }
0xce: {  	[sflag:s10] =	ssyncadd.s32 $0xFFFFFF83  }
0xcf: {  	_ =	swait.ge [sflag:s10], $0x7D  }
0xd0: {  	[sflag:s10] =	ssyncset.done $0x0  }
0xd1: {  	[sflag:s10] =	ssyncadd.s32 $0xFFFFFF83  }
0xd2: {  	_ =	swait.ge [sflag:s10], $0x7D  }
0xd3: {  	[sflag:s10] =	ssyncset.done $0x0  }
0xd4: {  	[sflag:s10] =	ssyncadd.s32 $0xFFFFFF83  }
0xd5: {  	_ =	swait.ge [sflag:s10], $0x7D  }
0xd6: {  	[sflag:s10] =	ssyncset.done $0x0  }
0xd7: {  	[sflag:s10] =	ssyncadd.s32 $0xFFFFFF83  }
0xd8: {  	_ =	swait.ge [sflag:s10], $0x7D  }
0xd9: {  	[sflag:s10] =	ssyncset.done $0x0  }
0xda: {  	s11 =	sadd.s32 $0x1, s11;
	[sflag:s10] =	ssyncadd.s32 $0xFFFFFF83  }
0xdb: {  	p0 =	sne.s32 s11, $0x5;
	_ =	swait.ge [sflag:s10], $0x7D  }
.Ltmp1:
0xdc: {  	[sflag:s10] =	ssyncset.done $0x0;
	(pc) =	sbr.rel @p0 .LBB2_2-.Ltmp1, $4  }
0xdd: {  	[sflag:s10] =	ssyncadd.s32 $0xFFFFFF83  }
0xde: {  	_ =	swait.ge [sflag:s10], $0x7D  }
0xdf: {  	[sflag:s10] =	ssyncset.done $0x0  }
0xe0: {  	[sflag:s10] =	ssyncadd.s32 $0xFFFFFF83  }
0xe1: {  	[bflag:$0x0] =	sbarrier.arrive $0xFFFF  }
0xe2: {  	s11 =	rddreg [dreg:$0xd]  }
0xe3: {  	s13 =	rddreg [dreg:$0xf]  }
0xe4: {  	s14 =	simm.s32 $0x20;
	s19 =	simm.s32 $0x10;
	s20 =	rddreg [dreg:$0x11]  }
0xe5: {  	[hbm:s11@s14], [sflag:s13] =	dma.strided [spmem:s20@s19], $0x50, s10, $0x10   }
0xe6: {  	_ =	swait.ge [sflag:s22], $0x50  }
0xe7: {  	s20 =	rddreg [dreg:$0x10]  }
0xe8: {  	s21 =	rddreg [dreg:$0xe];
	s14 =	sadd.s32 $0x1, s20  }
0xe9: {  	p0 =	sne.s32 s14, s21  }
.Ltmp2:
0xea: {  	_ = 	snop;
	(pc) =	sbr.rel @p0 .LBB2_1-.Ltmp2, $3  }
0xeb: {  	_ =	sdelay $0x1  }
0xec: {  	[sflag:s22] =	ssyncset.done $0x0  }
0xed: {  	[sflag:s22] =	ssyncadd.s32 $0xFFFFFFB0  }
0xee: {  	_ =	sfence.sel $0x180000  }
0xef: {  	[bflag:$0x0] =	sbarrier.arrive $0xFFFF  }
0xf0: {  	_ =	strace $0x90000047  }
0xf1: {  	s0 =	stileid.u32;
	[bflag:$0x2] =	sbarrier.arrive $0xFFFF  }
0xf2: {  	p0 =	sne.s32 s0, $0x0;
	s0 =	rddreg [dreg:$0x3]  }
0xf3: {  	s0 =	sadd.s32 @!p0 $0x100000, s0  }
0xf4: {  	[sflag:s0] =	ssyncadd.tile.s32 @!p0 $0x1;
	_ =	shalt  }
.Lfunc_end2:
_tile_overlayer_lowered:
.L_overlay_start_2:
0xf5: {  	(tag) =	ssettag $0x2  }
0xf6: {  	s0 =	rddreg [dreg:$0x0];
	s2 =	stileid.u32  }
0xf7: {  	s1 =	rddreg [dreg:$0x1];
	p0 =	sne.s32 s2, $0x0  }
0xf8: {  	s3 =	rddreg [dreg:$0x2];
	[bflag:$0x3] =	sbarrier.arrive $0xFFFF;
	s2 =	simm.s32 @!p0 $0x1C02  }
0xf9: {  	[timem:s3], [sflag:s2] =	dma.local @!p0 [hbm:s0], s1  }
0xfa: {  	s0 =	simm.s32 @!p0 $0x2  }
0xfb: {  	_ =	swait.ge @!p0 [sflag:s0], s1  }
0xfc: {  	s1 =	ssub.s32 @!p0 $0x0, s1;
	[sflag:s0] =	ssyncset.done @!p0 $0x0  }
0xfd: {  	[sflag:s0] =	ssyncadd.s32 @!p0 s1  }
0xfe: {  	[bflag:$0x3] =	sbarrier.arrive $0xFFFF  }
0xff: {  	_ =	shalt  }

// kernel: kernel.9.cloned.1.call-start
scs
__scs_entry_jumppad:
0x0: {  	(pc) =	sbr.rel $0x88, $3  }
0x1: {  	(tag) =	ssettag $0x0;
	lr =	simm.s32 $0x1  }
0x2: {  	[smem:$0x3F97] =	sst lr;
	_ =	strace $0xD0000000  }
0x3: {  	_ = 	snop  }
0x4: {  	_ = 	snop  }
0x5: {  	_ = 	snop  }
0x6: {  	_ = 	snop  }
0x7: {  	_ = 	snop  }
__scs_overlays_trampoline_lowered:
0x8: {  	[smem:$0x3FA6] =	sst s0  }
0x9: {  	[smem:$0x3FA7] =	sst s1  }
0xa: {  	[smem:$0x3FA8] =	sst s2  }
0xb: {  	[smem:$0x3FA9] =	sst s3  }
0xc: {  	[smem:$0x3FAA] =	sst s4  }
0xd: {  	[smem:$0x3FAB] =	sst s5  }
0xe: {  	[smem:$0x3FAC] =	sst s6  }
0xf: {  	[smem:$0x3FAD] =	sst s7  }
0x10: {  	[smem:$0x3FAE] =	sst s8  }
0x11: {  	[smem:$0x3FAF] =	sst s9;
	s0 =	simm.s32 @!p0 $0x0  }
0x12: {  	s1 =	sld [smem:$0x3F95];
	s0 =	simm.s32 @p0 $0x1  }
0x13: {  	[smem:$0x3FB0] =	sst s0;
	s0 =	simm.s32 @!p1 $0x0  }
0x14: {  	s2 =	sld [smem:$0x3F94];
	s0 =	simm.s32 @p1 $0x1  }
0x15: {  	[smem:$0x3FB1] =	sst s0;
	s0 =	simm.s32 @!p2 $0x0  }
0x16: {  	s3 =	sld [smem:$0x3FDB];
	s0 =	simm.s32 @p2 $0x1  }
0x17: {  	s4 =	simm.s32 $0x1BF5;
	[smem:$0x3FB3] =	sst s0  }
0x18: {  	s0 =	sld [smem:$0x3F96];
	_ =	swait.ge [sflag:s4], $0x0  }
0x19: {  	s7 =	sld [smem:$0x3F97]  }
0x1a: {  	s8 =	sadd.s32 $0xFFFFE003, lr  }
0x1b: {  	s9 =	sadd.s32 $0xFFFFFEF7, lr;
	s5 =	simm.s32 $0xFFFFFFFF;
	p2 =	slt.u32 s8, $0xFFFFF086  }
0x1c: {  	p1 =	slt.u32 s9, $0xF7A;
	s5 =	simm.s32 @!p2 $0x0  }
0x1d: {  	s5 =	simm.s32 @p1 $0x1;
	p0 =	seq.s32 s7, s2  }
0x1e: {  	s7 =	smul.u32 @!p0 $0xF7A, s2;
	p2 =	seq.s32 @!p0 s5, $0x0  }
0x1f: {  	s9 =	smul.u32 $0xF7A, s1;
	s8 =	simm.s32 @!p0 $0x1BF5;
	p2 =	por !p2, p0  }
0x20: {  	[sflag:s8] =	ssyncset.s32 @!p0 $0xFFFFF086;
	s6 =	sadd.s32 @!p0 s3, s7;
	s7 =	simm.s32 @!p0 $0x108  }
0x21: {  	s3 =	sadd.s32 s3, s9;
	s6 =	sadd.s32 @!p0 $0x88, s6;
	s7 =	simm.s32 @p2 $0x1082  }
0x22: {  	[simem:s7], [sflag:s8] =	dma.local @!p0 [hbm:s6], $0xF7A  }
0x23: {  	s9 =	sor.u32 $0xD0000000, s2;
	s6 =	simm.s32 $0x108;
	_ =	swait.ge @!p0 [sflag:s8], $0x0  }
0x24: {  	s3 =	sadd.s32 $0x88, s3;
	s6 =	simm.s32 @!p1 $0x1082;
	[sflag:s4] =	ssyncset.s32 $0xFFFFF086  }
0x25: {  	[simem:s6], [sflag:s4] =	dma.local [hbm:s3], $0xF7A  }
0x26: {  	[smem:$0x3F97] =	sst s1;
	(tag) =	ssettag s2;
	_ =	strace s9  }
0x27: {  	s1 =	sld [smem:$0x3FA7]  }
0x28: {  	s2 =	sld [smem:$0x3FA8]  }
0x29: {  	s4 =	sld [smem:$0x3FAA]  }
0x2a: {  	p0 =	seq.s32 s5, $0x0;
	s5 =	sld [smem:$0x3FAB]  }
0x2b: {  	s6 =	sld [smem:$0x3FAC]  }
0x2c: {  	s7 =	sld [smem:$0x3FAD]  }
0x2d: {  	s3 =	simm.s32 $0x108;
	s8 =	sld [smem:$0x3FAE]  }
0x2e: {  	s3 =	simm.s32 @!p0 $0x1082;
	s9 =	sld [smem:$0x3FAF]  }
0x2f: {  	lr =	sadd.s32 s0, s3;
	s0 =	sld [smem:$0x3FA6]  }
0x30: {  	s3 =	sld [smem:$0x3FA9]  }
0x31: {  	[smem:$0x3FB2] =	sst s10  }
0x32: {  	s10 =	sld [smem:$0x3FB0];
	_ =	sdelay $0x3  }
0x33: {  	p0 =	seq.s32 s10, $0x1;
	s10 =	sld [smem:$0x3FB2];
	_ =	sdelay $0x3  }
0x34: {  	[smem:$0x3FB2] =	sst s10  }
0x35: {  	s10 =	sld [smem:$0x3FB1];
	_ =	sdelay $0x3  }
0x36: {  	p1 =	seq.s32 s10, $0x1;
	s10 =	sld [smem:$0x3FB2];
	_ =	sdelay $0x3  }
0x37: {  	[smem:$0x3FB2] =	sst s10  }
0x38: {  	s10 =	sld [smem:$0x3FB3]  }
0x39: {  	_ = 	snop;
	(pc) =	sbr.ind lr, $3  }
0x3a: {  	_ = 	snop  }
0x3b: {  	_ = 	snop  }
0x3c: {  	p2 =	seq.s32 s10, $0x1;
	s10 =	sld [smem:$0x3FB2]  }
0x3d: {  	_ =	shalt  }
0x3e: {  	_ =	shalt  }
0x3f: {  	_ =	shalt  }
0x40: {  	_ =	shalt  }
0x41: {  	_ =	shalt  }
0x42: {  	_ =	shalt  }
0x43: {  	_ =	shalt  }
0x44: {  	_ =	shalt  }
0x45: {  	_ =	shalt  }
0x46: {  	_ =	shalt  }
0x47: {  	_ =	shalt  }
0x48: {  	_ =	shalt  }
0x49: {  	_ =	shalt  }
0x4a: {  	_ =	shalt  }
0x4b: {  	_ =	shalt  }
0x4c: {  	_ =	shalt  }
0x4d: {  	_ =	shalt  }
0x4e: {  	_ =	shalt  }
0x4f: {  	_ =	shalt  }
0x50: {  	_ =	shalt  }
0x51: {  	_ =	shalt  }
0x52: {  	_ =	shalt  }
0x53: {  	_ =	shalt  }
0x54: {  	_ =	shalt  }
0x55: {  	_ =	shalt  }
0x56: {  	_ =	shalt  }
0x57: {  	_ =	shalt  }
0x58: {  	_ =	shalt  }
0x59: {  	_ =	shalt  }
0x5a: {  	_ =	shalt  }
0x5b: {  	_ =	shalt  }
0x5c: {  	_ =	shalt  }
0x5d: {  	_ =	shalt  }
0x5e: {  	_ =	shalt  }
0x5f: {  	_ =	shalt  }
0x60: {  	_ =	shalt  }
0x61: {  	_ =	shalt  }
0x62: {  	_ =	shalt  }
0x63: {  	_ =	shalt  }
0x64: {  	_ =	shalt  }
0x65: {  	_ =	shalt  }
0x66: {  	_ =	shalt  }
0x67: {  	_ =	shalt  }
0x68: {  	_ =	shalt  }
0x69: {  	_ =	shalt  }
0x6a: {  	_ =	shalt  }
0x6b: {  	_ =	shalt  }
0x6c: {  	_ =	shalt  }
0x6d: {  	_ =	shalt  }
0x6e: {  	_ =	shalt  }
0x6f: {  	_ =	shalt  }
0x70: {  	_ =	shalt  }
0x71: {  	_ =	shalt  }
0x72: {  	_ =	shalt  }
0x73: {  	_ =	shalt  }
0x74: {  	_ =	shalt  }
0x75: {  	_ =	shalt  }
0x76: {  	_ =	shalt  }
0x77: {  	_ =	shalt  }
0x78: {  	_ =	shalt  }
0x79: {  	_ =	shalt  }
0x7a: {  	_ =	shalt  }
0x7b: {  	_ =	shalt  }
0x7c: {  	_ =	shalt  }
0x7d: {  	_ =	shalt  }
0x7e: {  	_ =	shalt  }
0x7f: {  	_ =	shalt  }
0x80: {  	_ =	shalt  }
0x81: {  	_ =	shalt  }
0x82: {  	_ =	shalt  }
0x83: {  	_ =	shalt  }
0x84: {  	_ =	shalt  }
0x85: {  	_ =	shalt  }
0x86: {  	_ =	shalt  }
0x87: {  	_ =	shalt  }
.Lfunc_end0:
.L_simem_size_0:
called_computation.1_lowered:
.L_overlay_start_0:
0x88: {  	s2 =	sld [smem:$0x3FD9]  }
0x89: {  	s3 =	sld [smem:$0x3FFE];
	_ =	sdelay $0x1  }
0x8a: {  	s1 =	srdreg.scid  }
0x8b: {  	s0 =	sand.u32 $0x1, s1  }
0x8c: {  	s17 =	sshll.u32 s0, $0xA;
	s2 =	sadd.s32 s3, s2  }
0x8d: {  	s2 =	sadd.s32 s2, s17  }
0x8e: {  	[smem:$0x3FBE] =	sst s2  }
0x8f: {  	_ = 	snop  }
0x90: {  	s2 =	sld [smem:$0x3FC9]  }
0x91: {  	s18 =	sld [smem:$0x3FD0];
	(tm) =	ssettm $0x1  }
0x92: {  	s4 =	sld [smem:$0x3FFB];
	_ =	sdelay $0x3  }
0x93: {  	_ =	strace s4  }
0x94: {  	s4 =	sld [smem:$0x3FFC];
	_ =	sdelay $0x3  }
0x95: {  	_ =	strace s4  }
0x96: {  	s4 =	sld [smem:$0x3FFD];
	_ =	sdelay $0x3  }
0x97: {  	_ =	strace s4  }
0x98: {  	_ =	strace $0x8FFFFFFF  }
0x99: {  	s19 =	sld [smem:$0x3FDB];
	_ =	sdelay $0x1  }
0x9a: {  	s5 =	simm.s32 $_scs_section_size  }
0x9b: {  	s6 =	simm.s32 $_size__tile_overlayer_lowered;
	s7 =	simm.s32 $_tile_overlayer_lowered  }
0x9c: {  	s22 =	simm.s32 $0x1BFF;
	s21 =	sshll.u32 s7, $0x1;
	s4 =	sadd.s32 s5, s19  }
0x9d: {  	s8 =	simm.s32 $0x0;
	s20 =	sshll.u32 s6, $0x1;
	s6 =	sadd.s32 s21, s4  }
0x9e: {  	[timem:s8], [sflag:s22] =	dma.local [hbm:s6], s20  }
0x9f: {  	_ =	swait.ge [sflag:s22], s20  }
0xa0: {  	s5 =	ssub.s32 $0x0, s20;
	[sflag:s22] =	ssyncset.done $0x0  }
0xa1: {  	[sflag:s22] =	ssyncadd.s32 s5;
	_ =	sdelay $0x1  }
0xa2: {  	s23 =	simm.s32 $0x1B8B  }
0xa3: {  	_ =	swait.ge [sflag:s23], $0x1  }
0xa4: {  	[sflag:s23] =	ssyncset.done $0x0  }
0xa5: {  	s25 =	simm.s32 $0x1B8E;
	s24 =	sld [smem:$0x3FFE];
	[sflag:s23] =	ssyncadd.s32 $0xFFFFFFFF  }
0xa6: {  	s26 =	simm.s32 $execute0_lowered;
	[smem:$0x3FD2] =	sst s25  }
0xa7: {  	s6 =	sshll.u32 s26, $0x1;
	_ =	strace $0x80000049;
	[dreg:$0x1] =	wrdreg $0xFFFFFFFF  }
0xa8: {  	s28 =	simm.s32 $_size_execute0_lowered;
	s4 =	sadd.s32 s4, s6;
	[dreg:$0x0] =	wrdreg $0x0  }
0xa9: {  	s6 =	sshll.u32 s28, $0x1;
	[dreg:$0x2] =	wrdreg s4  }
0xaa: {  	[dreg:$0x3] =	wrdreg s6  }
0xab: {  	[dreg:$0x4] =	wrdreg $0xC0  }
0xac: {  	_ =	task [dreg:s8], $0x5FFFF  }
0xad: {  	[dreg:$0x1] =	wrdreg $0xFFFFFFFF  }
0xae: {  	[dreg:$0x0] =	wrdreg $0x60  }
0xaf: {  	[dreg:$0x2] =	wrdreg s24  }
0xb0: {  	[dreg:$0x3] =	wrdreg s2  }
0xb1: {  	[dreg:$0x4] =	wrdreg s18  }
0xb2: {  	[dreg:$0x5] =	wrdreg $0x53000  }
0xb3: {  	[dreg:$0x6] =	wrdreg $0x9  }
0xb4: {  	_ =	task.clear_ibuf [dreg:s8], $0x7FFFF;
	_ =	strace $0x90000049  }
0xb5: {  	s29 =	simm.s32 $0x9;
	_ =	strace $0x8000004B  }
0xb6: {  	_ =	swait.ge [sflag:s29], $0x1  }
0xb7: {  	[sflag:s29] =	ssyncadd.s32 $0xFFFFFFFF  }
0xb8: {  	_ =	strace $0x9000004B  }
0xb9: {  	_ =	sfence  }
0xba: {  	s30 =	sld [smem:$0x0];
	_ =	sdelay $0x2  }
0xbb: {  	s31 =	sshll.u32 s1, $0xD;
	s1 =	sshrl.u32 s1, $0x2  }
0xbc: {  	s3 =	sand.u32 $0x4000, s31;
	s1 =	sadd.s32 s1, s30  }
0xbd: {  	s0 =	sor.u32 s3, s0;
	s1 =	sshll.u32 s1, $0x11  }
0xbe: {  	s0 =	sor.u32 s1, s0  }
0xbf: {  	s0 =	sadd.s32 $0x8F2B, s0  }
0xc0: {  	[sflag:s0] =	ssyncadd.remote.s32 $0x1  }
0xc1: {  	_ =	sfence.sel $0xFFFF  }
0xc2: {  	[dreg:$0x0] =	wrdreg $0xFFFFFFFF;
	(pc) =	sbr.abs _section_cstart, $3  }
0xc3: {  	[dreg:$0x1] =	wrdreg $0xFFFFFFFF  }
0xc4: {  	_ =	task.clear_ibuf [dreg:s8], $0x2FFFF;
	_ =	strace $0x9FFFFFFF  }
0xc5: {  	(tm) =	ssettm $0x7FFFFFFF  }
tec
execute0_lowered:
.L_overlay_start_1:
0x0: {  	(tag) =	ssettag $0x1  }
0x1: {  	s0 =	rddreg [dreg:$0x0]  }
0x2: {  	s1 =	rddreg [dreg:$0x1];
	s2 =	srdreg.scid  }
0x3: {  	s5 =	rddreg [dreg:$0x3];
	s12 =	stileid.u32;
	s6 =	simm.s32 $0x0  }
0x4: {  	s28 =	simm.s32 $0x1;
	s29 =	simm.s32 $0x28;
	s30 =	simm.s32 $0x3C00  }
0x5: {  	s31 =	simm.s32 $0x3;
	s2 =	sand.u32 $0x1, s2;
	s4 =	smul.u32 $0x14000, s12  }
0x6: {  	[smem:$0x7FF] =	sst s6;
	s7 =	sadd.s32 $0x34800, s0;
	s9 =	smul.u32 $0x50000, s12  }
0x7: {  	s8 =	sadd.s32 $0x9E00, s0;
	s3 =	smul.u32 $0x140000, s2;
	s20 =	ssub.s32 $0x2, s2  }
0x8: {  	_ =	strace $0x8000004A;
	s2 =	sshll.u32 s2, $0x4;
	s10 =	sshrl.u32 s20, $0x1  }
0x9: {  	s2 =	sor.u32 s12, s2;
	s9 =	sshrl.u32 s9, $0x2;
	s12 =	sshll.u32 s12, $0x6  }
0xa: {  	s3 =	sadd.s32 s4, s3;
	s11 =	smul.u32 $0x2710, s2;
	s4 =	ssub.s32 s20, s10  }
0xb: {  	s21 =	sadd.s32 s9, s5;
	s9 =	sor.u32 $0x1C07, s12;
	s2 =	smul.u32 $0x27100, s2  }
0xc: {  	s3 =	sshrl.u32 s3, $0x3;
	s19 =	smax.u32 s4, $0x1;
	s20 =	sshrl.u32 s21, $0x3  }
0xd: {  	s21 =	simm.s32 $0x7;
	s4 =	simm.s32 $0x4;
	s3 =	sadd.s32 s3, s0  }
0xe: {  	s22 =	sshrl.u32 s11, $0x3;
	s13 =	sadd.s32 $0x28, s11;
	s2 =	sadd.s32 s7, s2  }
0xf: {  	s16 =	sadd.s32 $0x50, s11;
	s17 =	sadd.s32 $0x78, s11;
	s14 =	sadd.s32 s0, s22  }
0x10: {  	s12 =	sadd.s32 s8, s22;
	s23 =	sshrl.u32 s13, $0x3;
	[dreg:$0x7] =	wrdreg s2  }
0x11: {  	s25 =	sshll.u32 s13, $0x4;
	s26 =	sadd.s32 $0x516800, s3;
	[dreg:$0x5] =	wrdreg s14  }
0x12: {  	s3 =	simm.s32 $0x2800;
	s22 =	simm.s32 $0x5280;
	[dreg:$0x6] =	wrdreg s12  }
0x13: {  	s24 =	sadd.s32 s0, s23;
	s12 =	sadd.s32 s8, s23;
	[dreg:$0xb] =	wrdreg s26  }
0x14: {  	s2 =	sadd.s32 s7, s25;
	s23 =	simm.s32 $0x5;
	[dreg:$0x8] =	wrdreg s24  }
0x15: {  	s25 =	simm.s32 $0x6;
	s26 =	simm.s32 $0x0;
	[dreg:$0x9] =	wrdreg s12  }
0x16: {  	[dreg:$0xa] =	wrdreg s2;
	s24 =	simm.s32 $0x5080;
	s2 =	simm.s32 $0x5200  }
.LBB2_1:
0x17: {  	s10 =	rddreg [dreg:$0x2]  }
0x18: {  	[spmem:s20], [sflag:s9] =	dma.local [hbm:s10], $0x2800  }
0x19: {  	_ =	swait.ge [sflag:s21], $0x2800  }
0x1a: {  	[sflag:s21] =	ssyncset.done $0x0  }
0x1b: {  	[sflag:s21] =	ssyncadd.s32 $0xFFFFD800  }
0x1c: {  	[bflag:$0x0] =	sbarrier.arrive $0xFFFF  }
0x1d: {  	s11 =	simm.s32 $0x5000;
	s14 =	rddreg [dreg:$0x5]  }
0x1e: {  	[tilespmem:s11], [sflag:$0x1] =	stream.linear.gather [hbm4b:s14+s6], $0x28, $0x38;
	[tilespmem:$0x19300] =	vst v63  }
0x1f: {  	s18 =	simm.s32 $0x5100;
	s15 =	rddreg [dreg:$0x6]  }
0x20: {  	[tilespmem:s18], [sflag:$0x1] =	stream.linear.gather [hbm4b:s15+s6], $0x28, $0x38;
	[tilespmem:$0x19300] =	vst v63  }
0x21: {  	s11 =	rddreg [dreg:$0x7]  }
0x22: {  	[tilespmem:s6], [sflag:$0x1] =	stream.linear.gather [hbm4b:s11+s6], $0x1400, $0x38;
	[tilespmem:$0x19300] =	vst v63  }
0x23: {  	s12 =	rddreg [dreg:$0x8]  }
0x24: {  	[tilespmem:s24], [sflag:$0x2] =	stream.linear.gather [hbm4b:s12+s6], $0x28, $0x38;
	[tilespmem:$0x19300] =	vst v63  }
0x25: {  	s13 =	rddreg [dreg:$0x9];
	s14 =	simm.s32 $0x5180  }
0x26: {  	[tilespmem:s14], [sflag:$0x2] =	stream.linear.gather [hbm4b:s13+s6], $0x28, $0x38;
	[tilespmem:$0x19300] =	vst v63  }
0x27: {  	s10 =	simm.s32 $0x0;
	s15 =	rddreg [dreg:$0xa];
	s18 =	simm.s32 $0x1400  }
0x28: {  	[tilespmem:s18], [sflag:$0x2] =	stream.linear.gather [hbm4b:s15+s6], $0x1400, $0x38;
	[tilespmem:$0x19300] =	vst v63  }
.LBB2_2:
0x29: {  	_ =	swait.ge [sflag:s28], $0x28  }
0x2a: {  	[sflag:s28] =	ssyncset.done $0x0  }
0x2b: {  	[sflag:s28] =	ssyncadd.s32 $0xFFFFFFD8  }
0x2c: {  	_ =	swait.ge [sflag:s28], $0x28  }
0x2d: {  	[sflag:s28] =	ssyncset.done $0x0  }
0x2e: {  	[sflag:s28] =	ssyncadd.s32 $0xFFFFFFD8  }
0x2f: {  	p0 =	seq.s32 s10, $0x0;
	_ =	swait.ge [sflag:s28], $0x1400  }
0x30: {  	s11 =	simm.s32 @p0 $0x28;
	[sflag:s28] =	ssyncset.done $0x0  }
0x31: {  	s12 =	simm.s32 @p0 $0x5000;
	s13 =	simm.s32 @p0 $0x2800;
	[sflag:s28] =	ssyncadd.s32 $0xFFFFEC00  }
0x32: {  	[tilespmem:s13], [sflag:$0x3] =	stream.indirect.gather @p0 [hbm4b:s1+s11], $0x80, s12, s11, $0xb8;
	[tilespmem:$0x19300] =	vst v63  }
0x33: {  	s11 =	simm.s32 @p0 $0x2  }
0x34: {  	_ =	swait.ge @p0 [sflag:s11], $0x28  }
0x35: {  	[sflag:s11] =	ssyncset.done @p0 $0x0  }
0x36: {  	[sflag:s11] =	ssyncadd.s32 @p0 $0xFFFFFFD8  }
0x37: {  	_ =	swait.ge @p0 [sflag:s11], $0x28  }
0x38: {  	[sflag:s11] =	ssyncset.done @p0 $0x0  }
0x39: {  	[sflag:s11] =	ssyncadd.s32 @p0 $0xFFFFFFD8;
	s11 =	simm.s32 @!p0 $0x5  }
0x3a: {  	_ =	swait.ge @!p0 [sflag:s11], $0x1400  }
0x3b: {  	s12 =	simm.s32 @!p0 $0x5000;
	[sflag:s11] =	ssyncset.done @!p0 $0x0  }
0x3c: {  	s13 =	simm.s32 @!p0 $0x2800;
	[sflag:s11] =	ssyncadd.s32 @!p0 $0xFFFFEC00;
	s11 =	simm.s32 @!p0 $0x28  }
0x3d: {  	[tilespmem:s13], [sflag:$0x3] =	stream.indirect.gather @!p0 [hbm4b:s1+s11], $0x80, s12, s11, $0xb8;
	[tilespmem:$0x19300] =	vst v63  }
0x3e: {  	s11 =	simm.s32 @!p0 $0x2  }
0x3f: {  	_ =	swait.ge @!p0 [sflag:s11], $0x28  }
0x40: {  	[sflag:s11] =	ssyncset.done @!p0 $0x0  }
0x41: {  	[sflag:s11] =	ssyncadd.s32 @!p0 $0xFFFFFFD8  }
0x42: {  	_ =	swait.ge @!p0 [sflag:s11], $0x28  }
0x43: {  	[sflag:s11] =	ssyncset.done @!p0 $0x0  }
0x44: {  	[sflag:s11] =	ssyncadd.s32 @!p0 $0xFFFFFFD8  }
0x45: {  	_ =	swait.ge @!p0 [sflag:s11], $0x1400  }
0x46: {  	s12 =	simm.s32 @!p0 $0x6;
	[sflag:s11] =	ssyncset.done @!p0 $0x0  }
0x47: {  	s12 =	simm.s32 @p0 $0x2;
	[sflag:s11] =	ssyncadd.s32 @!p0 $0xFFFFEC00  }
0x48: {  	_ =	swait.ge [sflag:s12], $0x1400  }
0x49: {  	[sflag:s12] =	ssyncset.done $0x0  }
0x4a: {  	[sflag:s12] =	ssyncadd.s32 $0xFFFFEC00  }
0x4b: {  	[tilespmem:s30], [sflag:$0x4] =	stream.indirect.gather [hbm4b:s1+s29], $0x80, s24, s29, $0xb8;
	[tilespmem:$0x19300] =	vst v63  }
0x4c: {  	_ =	swait.ge [sflag:s31], $0x1400  }
0x4d: {  	[sflag:s31] =	ssyncset.done $0x0  }
0x4e: {  	s11 =	simm.s32 $0x0;
	[sflag:s31] =	ssyncadd.s32 $0xFFFFEC00  }
0x4f: {  	v4 =	vld [tilespmem:s11+$0x0]  }
0x50: {  	v2 =	vld [tilespmem:s11+$0x10]  }
0x51: {  	v1 =	vld [tilespmem:s11+$0x20]  }
0x52: {  	v0 =	vld [tilespmem:s11+$0x30]  }
0x53: {  	v8 =	vld [tilespmem:s11+$0x2800]  }
0x54: {  	v7 =	vld [tilespmem:s11+$0x2840]  }
0x55: {  	v6 =	vld [tilespmem:s11+$0x2810]  }
0x56: {  	v5 =	vld [tilespmem:s11+$0x2850]  }
0x57: {  	v3 =	vld [tilespmem:s11+$0x2820];
	v10 =	vshll.u32 v4, $0x10  }
0x58: {  	s12 =	simm.s32 $0x200;
	v9 =	vand.u32 $0xFFFF0000, v4;
	v4 =	vld [tilespmem:s11+$0x2860];
	v8 =	vmul.f32 v10, v8  }
.LBB2_3:
0x59: {  	p0 =	sne.s32 s12, $0x4E00;
	v7 =	vmul.f32 v9, v7;
	v9 =	vshll.u32 v2, $0x10;
	v10 =	vld [tilespmem:s11+$0x2830]  }
0x5a: {  	s13 =	sshra.s32 s12, $0x2;
	v2 =	vand.u32 $0xFFFF0000, v2;
	[tilespmem:s11+$0x2800] =	vst v8;
	v6 =	vmul.f32 v9, v6;
	v8 =	vld [tilespmem:s11+$0x2870]  }
0x5b: {  	v9 =	vld [tilespmem:s13+$0x0];
	[tilespmem:s11+$0x2840] =	vst v7;
	v5 =	vmul.f32 v2, v5;
	v7 =	vshll.u32 v1, $0x10  }
0x5c: {  	v2 =	vld [tilespmem:s13+$0x10];
	[tilespmem:s11+$0x2810] =	vst v6;
	v6 =	vand.u32 $0xFFFF0000, v1;
	v3 =	vmul.f32 v7, v3  }
0x5d: {  	v1 =	vld [tilespmem:s13+$0x20];
	[tilespmem:s11+$0x2850] =	vst v5;
	v4 =	vmul.f32 v6, v4;
	v5 =	vshll.u32 v0, $0x10  }
0x5e: {  	[tilespmem:s11+$0x2820] =	vst v3;
	v3 =	vand.u32 $0xFFFF0000, v0;
	v0 =	vld [tilespmem:s13+$0x30];
	v5 =	vmul.f32 v5, v10  }
0x5f: {  	v10 =	vld [tilespmem:s13+$0x2800];
	[tilespmem:s11+$0x2860] =	vst v4;
	v3 =	vmul.f32 v3, v8  }
.Ltmp0:
0x60: {  	v7 =	vld [tilespmem:s13+$0x2840];
	[tilespmem:s11+$0x2830] =	vst v5;
	(pc) =	sbr.rel @p0 .LBB2_3-.Ltmp0, $4  }
0x61: {  	v6 =	vld [tilespmem:s13+$0x2810];
	[tilespmem:s11+$0x2870] =	vst v3;
	s11 =	smov.u32 s13  }
0x62: {  	v5 =	vld [tilespmem:s11+$0x2850]  }
0x63: {  	v4 =	vshll.u32 v9, $0x10;
	v3 =	vld [tilespmem:s11+$0x2820]  }
0x64: {  	s12 =	sadd.s32 $0x200, s12;
	v9 =	vand.u32 $0xFFFF0000, v9;
	v8 =	vmul.f32 v4, v10;
	v4 =	vld [tilespmem:s11+$0x2860]  }
0x65: {  	v10 =	vld [tilespmem:s11+$0x2830];
	v7 =	vmul.f32 v9, v7;
	v9 =	vshll.u32 v2, $0x10  }
0x66: {  	v2 =	vand.u32 $0xFFFF0000, v2;
	[tilespmem:s11+$0x2800] =	vst v8;
	v6 =	vmul.f32 v9, v6;
	v8 =	vld [tilespmem:s11+$0x2870]  }
0x67: {  	[tilespmem:s11+$0x2840] =	vst v7;
	v2 =	vmul.f32 v2, v5;
	v5 =	vshll.u32 v1, $0x10  }
0x68: {  	v1 =	vand.u32 $0xFFFF0000, v1;
	[tilespmem:s11+$0x2810] =	vst v6;
	v3 =	vmul.f32 v5, v3  }
0x69: {  	[tilespmem:s11+$0x2850] =	vst v2;
	v1 =	vmul.f32 v1, v4;
	v2 =	vshll.u32 v0, $0x10  }
0x6a: {  	v0 =	vand.u32 $0xFFFF0000, v0;
	[tilespmem:s11+$0x2820] =	vst v3;
	v2 =	vmul.f32 v2, v10  }
0x6b: {  	[tilespmem:s11+$0x2860] =	vst v1;
	v0 =	vmul.f32 v0, v8  }
0x6c: {  	[tilespmem:s11+$0x2830] =	vst v2  }
0x6d: {  	[tilespmem:s11+$0x2870] =	vst v0  }
0x6e: {  	v0 =	vld [tilespmem:$0x5100]  }
0x6f: {  	v1 =	vld [tilespmem:$0x5110]  }
0x70: {  	v2 =	vld [tilespmem:$0x5118]  }
0x71: {  	p0 =	seq.s32 s10, $0x7C  }
0x72: {  	s11 =	smul.u32 @!p0 $0x50, s10  }
0x73: {  	[tilespmem:$0x5200] =	vst v0  }
0x74: {  	s12 =	sadd.s32 @!p0 s11, s16;
	[tilespmem:$0x5210] =	vst v1  }
0x75: {  	s13 =	sshrl.u32 @!p0 s12, $0x3;
	[tilespmem:$0x5218] =	vst v2  }
0x76: {  	[spmem:s5] =	stream.indirect.scatter.add.f32 [tilespmem:s3], [sflag:$0x5], $0x80, s2, s29, $0xb8;
	[tilespmem:$0x19300] =	vst v63  }
0x77: {  	s15 =	simm.s32 @!p0 $0x0;
	s18 =	simm.s32 @!p0 $0x5000;
	s14 =	sadd.s32 @!p0 s0, s13  }
0x78: {  	[tilespmem:s18], [sflag:$0x1] =	stream.linear.gather @!p0 [hbm4b:s14+s15], $0x28, $0x38;
	[tilespmem:$0x19300] =	vst v63  }
0x79: {  	s12 =	sshll.u32 @!p0 s12, $0x4;
	s13 =	sadd.s32 @!p0 s8, s13;
	s14 =	simm.s32 @!p0 $0x5100  }
0x7a: {  	[tilespmem:s14], [sflag:$0x1] =	stream.linear.gather @!p0 [hbm4b:s13+s15], $0x28, $0x38;
	[tilespmem:$0x19300] =	vst v63  }
0x7b: {  	s12 =	sadd.s32 @!p0 s7, s12  }
0x7c: {  	[tilespmem:s15], [sflag:$0x1] =	stream.linear.gather @!p0 [hbm4b:s12+s15], $0x1400, $0x38;
	[tilespmem:$0x19300] =	vst v63  }
0x7d: {  	_ =	swait.ge [sflag:s4], $0x1400  }
0x7e: {  	[sflag:s4] =	ssyncset.done $0x0  }
0x7f: {  	s12 =	simm.s32 $0x0;
	[sflag:s4] =	ssyncadd.s32 $0xFFFFEC00  }
0x80: {  	v4 =	vld [tilespmem:s12+$0x1400]  }
0x81: {  	v2 =	vld [tilespmem:s12+$0x1410]  }
0x82: {  	v1 =	vld [tilespmem:s12+$0x1420]  }
0x83: {  	v0 =	vld [tilespmem:s12+$0x1430]  }
0x84: {  	v8 =	vld [tilespmem:s12+$0x3C00]  }
0x85: {  	v7 =	vld [tilespmem:s12+$0x3C40]  }
0x86: {  	v6 =	vld [tilespmem:s12+$0x3C10]  }
0x87: {  	v5 =	vld [tilespmem:s12+$0x3C50]  }
0x88: {  	v3 =	vld [tilespmem:s12+$0x3C20];
	v10 =	vshll.u32 v4, $0x10  }
0x89: {  	s10 =	sadd.s32 $0x1, s10;
	s13 =	simm.s32 $0x200;
	v9 =	vand.u32 $0xFFFF0000, v4;
	v4 =	vld [tilespmem:s12+$0x3C60];
	v8 =	vmul.f32 v10, v8  }
.LBB2_5:
0x8a: {  	p1 =	sne.s32 s13, $0x4E00;
	v7 =	vmul.f32 v9, v7;
	v9 =	vshll.u32 v2, $0x10;
	v10 =	vld [tilespmem:s12+$0x3C30]  }
0x8b: {  	s14 =	sshra.s32 s13, $0x2;
	v2 =	vand.u32 $0xFFFF0000, v2;
	[tilespmem:s12+$0x3C00] =	vst v8;
	v6 =	vmul.f32 v9, v6;
	v8 =	vld [tilespmem:s12+$0x3C70]  }
0x8c: {  	v9 =	vld [tilespmem:s14+$0x1400];
	[tilespmem:s12+$0x3C40] =	vst v7;
	v5 =	vmul.f32 v2, v5;
	v7 =	vshll.u32 v1, $0x10  }
0x8d: {  	v2 =	vld [tilespmem:s14+$0x1410];
	[tilespmem:s12+$0x3C10] =	vst v6;
	v6 =	vand.u32 $0xFFFF0000, v1;
	v3 =	vmul.f32 v7, v3  }
0x8e: {  	v1 =	vld [tilespmem:s14+$0x1420];
	[tilespmem:s12+$0x3C50] =	vst v5;
	v4 =	vmul.f32 v6, v4;
	v5 =	vshll.u32 v0, $0x10  }
0x8f: {  	[tilespmem:s12+$0x3C20] =	vst v3;
	v3 =	vand.u32 $0xFFFF0000, v0;
	v0 =	vld [tilespmem:s14+$0x1430];
	v5 =	vmul.f32 v5, v10  }
0x90: {  	v10 =	vld [tilespmem:s14+$0x3C00];
	[tilespmem:s12+$0x3C60] =	vst v4;
	v3 =	vmul.f32 v3, v8  }
.Ltmp1:
0x91: {  	v7 =	vld [tilespmem:s14+$0x3C40];
	[tilespmem:s12+$0x3C30] =	vst v5;
	(pc) =	sbr.rel @p1 .LBB2_5-.Ltmp1, $4  }
0x92: {  	v6 =	vld [tilespmem:s14+$0x3C10];
	[tilespmem:s12+$0x3C70] =	vst v3;
	s12 =	smov.u32 s14  }
0x93: {  	v5 =	vld [tilespmem:s12+$0x3C50]  }
0x94: {  	v4 =	vshll.u32 v9, $0x10;
	v3 =	vld [tilespmem:s12+$0x3C20]  }
0x95: {  	s13 =	sadd.s32 $0x200, s13;
	v9 =	vand.u32 $0xFFFF0000, v9;
	v8 =	vmul.f32 v4, v10;
	v4 =	vld [tilespmem:s12+$0x3C60]  }
0x96: {  	v10 =	vld [tilespmem:s12+$0x3C30];
	v7 =	vmul.f32 v9, v7;
	v57 =	vshll.u32 v2, $0x10  }
0x97: {  	v58 =	vand.u32 $0xFFFF0000, v2;
	v59 =	vld [tilespmem:s12+$0x3C70];
	[tilespmem:s12+$0x3C00] =	vst v8;
	v6 =	vmul.f32 v57, v6  }
0x98: {  	v60 =	vshll.u32 v1, $0x10;
	[tilespmem:s12+$0x3C40] =	vst v7;
	v2 =	vmul.f32 v58, v5  }
0x99: {  	v61 =	vand.u32 $0xFFFF0000, v1;
	[tilespmem:s12+$0x3C10] =	vst v6;
	v3 =	vmul.f32 v60, v3  }
0x9a: {  	v62 =	vshll.u32 v0, $0x10;
	[tilespmem:s12+$0x3C50] =	vst v2;
	v1 =	vmul.f32 v61, v4  }
0x9b: {  	v63 =	vand.u32 $0xFFFF0000, v0;
	[tilespmem:s12+$0x3C20] =	vst v3;
	v2 =	vmul.f32 v62, v10  }
0x9c: {  	v0 =	vmul.f32 v63, v59;
	[tilespmem:s12+$0x3C60] =	vst v1  }
0x9d: {  	[tilespmem:s12+$0x3C30] =	vst v2  }
0x9e: {  	[tilespmem:s12+$0x3C70] =	vst v0  }
0x9f: {  	v0 =	vld [tilespmem:$0x5180]  }
0xa0: {  	v1 =	vld [tilespmem:$0x5190]  }
0xa1: {  	v2 =	vld [tilespmem:$0x5198];
	_ =	sdelay $0x2  }
0xa2: {  	[tilespmem:$0x5280] =	vst v0  }
0xa3: {  	s11 =	sadd.s32 @!p0 s11, s17;
	[tilespmem:$0x5290] =	vst v1  }
0xa4: {  	s12 =	sshrl.u32 @!p0 s11, $0x3;
	[tilespmem:$0x5298] =	vst v2  }
0xa5: {  	[spmem:s5] =	stream.indirect.scatter.add.f32 [tilespmem:s30], [sflag:$0x6], $0x80, s22, s29, $0xb8;
	[tilespmem:$0x19300] =	vst v63  }
0xa6: {  	s14 =	simm.s32 @!p0 $0x0;
	s15 =	simm.s32 @!p0 $0x5080;
	s13 =	sadd.s32 @!p0 s0, s12  }
0xa7: {  	[tilespmem:s15], [sflag:$0x2] =	stream.linear.gather @!p0 [hbm4b:s13+s14], $0x28, $0x38;
	[tilespmem:$0x19300] =	vst v63  }
0xa8: {  	s11 =	sshll.u32 @!p0 s11, $0x4;
	s12 =	sadd.s32 @!p0 s8, s12;
	s13 =	simm.s32 @!p0 $0x5180  }
0xa9: {  	[tilespmem:s13], [sflag:$0x2] =	stream.linear.gather @!p0 [hbm4b:s12+s14], $0x28, $0x38;
	[tilespmem:$0x19300] =	vst v63  }
0xaa: {  	p1 =	sne.s32 @!p0 s10, $0x7D;
	s11 =	sadd.s32 @!p0 s7, s11;
	s12 =	simm.s32 @!p0 $0x1400  }
0xab: {  	[tilespmem:s12], [sflag:$0x2] =	stream.linear.gather @!p0 [hbm4b:s11+s14], $0x1400, $0x38;
	[tilespmem:$0x19300] =	vst v63  }
0xac: {  	p0 =	por p0, !p1  }
.Ltmp2:
0xad: {  	_ = 	snop;
	(pc) =	sbr.rel @!p0 .LBB2_2-.Ltmp2, $1  }
0xae: {  	_ =	sdelay $0x3  }
0xaf: {  	_ =	swait.ge [sflag:s23], $0x1400  }
0xb0: {  	[sflag:s23] =	ssyncset.done $0x0  }
0xb1: {  	[sflag:s23] =	ssyncadd.s32 $0xFFFFEC00  }
0xb2: {  	_ =	swait.ge [sflag:s25], $0x1400  }
0xb3: {  	[sflag:s25] =	ssyncset.done $0x0  }
0xb4: {  	s26 =	sadd.s32 $0x1, s26;
	[sflag:s25] =	ssyncadd.s32 $0xFFFFEC00  }
0xb5: {  	p0 =	sne.s32 s26, s19;
	[bflag:$0x0] =	sbarrier.arrive $0xFFFF  }
.Ltmp3:
0xb6: {  	s10 =	rddreg [dreg:$0xb];
	(pc) =	sbr.rel @p0 .LBB2_1-.Ltmp3, $4  }
0xb7: {  	[hbm:s10], [sflag:s9] =	dma.local [spmem:s20], $0x2800  }
0xb8: {  	_ =	swait.ge [sflag:s21], $0x2800  }
0xb9: {  	[sflag:s21] =	ssyncset.done $0x0  }
0xba: {  	[sflag:s21] =	ssyncadd.s32 $0xFFFFD800  }
0xbb: {  	_ =	sfence.sel $0x180000  }
0xbc: {  	[bflag:$0x0] =	sbarrier.arrive $0xFFFF  }
0xbd: {  	_ =	strace $0x9000004A  }
0xbe: {  	s0 =	stileid.u32;
	[bflag:$0x2] =	sbarrier.arrive $0xFFFF  }
0xbf: {  	p0 =	sne.s32 s0, $0x0;
	s0 =	rddreg [dreg:$0x4]  }
0xc0: {  	s0 =	sadd.s32 @!p0 $0x100000, s0  }
0xc1: {  	[sflag:s0] =	ssyncadd.tile.s32 @!p0 $0x1;
	_ =	shalt  }
.Lfunc_end2:
_tile_overlayer_lowered:
.L_overlay_start_2:
0xc2: {  	(tag) =	ssettag $0x2  }
0xc3: {  	s0 =	rddreg [dreg:$0x0];
	s2 =	stileid.u32  }
0xc4: {  	s1 =	rddreg [dreg:$0x1];
	p0 =	sne.s32 s2, $0x0  }
0xc5: {  	s3 =	rddreg [dreg:$0x2];
	[bflag:$0x3] =	sbarrier.arrive $0xFFFF;
	s2 =	simm.s32 @!p0 $0x1C07  }
0xc6: {  	[timem:s3], [sflag:s2] =	dma.local @!p0 [hbm:s0], s1  }
0xc7: {  	s0 =	simm.s32 @!p0 $0x7  }
0xc8: {  	_ =	swait.ge @!p0 [sflag:s0], s1  }
0xc9: {  	s1 =	ssub.s32 @!p0 $0x0, s1;
	[sflag:s0] =	ssyncset.done @!p0 $0x0  }
0xca: {  	[sflag:s0] =	ssyncadd.s32 @!p0 s1  }
0xcb: {  	[bflag:$0x3] =	sbarrier.arrive $0xFFFF  }
0xcc: {  	_ =	shalt  }

</sc_bundles>
